<compile_context>
chip_gen: v7x
topology: tpu7x:2x2x1
jax: 0.10.2.dev20260603
libtpu: 0.0.44.dev20260713+nightly
codegen_flags: <defaults>
</compile_context>

<pallas_src>
import functools

import jax
import jax.numpy as jnp
from jax import lax
from jax.experimental import pallas as pl
from jax.experimental.pallas import tpu as pltpu
from jax.experimental.pallas import tpu_sc as plsc

N = 512
NFLAT = 2048
H = 8
E = 16384
F32 = jnp.float32
HIGH = lax.Precision.HIGHEST


def _lin_body(x_ref, w_ref, asrc_ref, adst_ref,
              hw_ref, as_ref, ad_ref, exs_ref, g_ref):
    hw = jnp.dot(x_ref[...], w_ref[...], preferred_element_type=F32)
    hw_ref[...] = hw
    front = hw[:N, :]
    als = jnp.dot(front, asrc_ref[...], precision=HIGH,
                  preferred_element_type=F32)
    ald = jnp.dot(front, adst_ref[...], precision=HIGH,
                  preferred_element_type=F32)
    as_ref[...] = als
    ad_ref[...] = ald
    m = jnp.max(als, axis=0, keepdims=True) + jnp.max(ald, axis=0, keepdims=True)
    g = jnp.maximum(m, 0.2 * m)
    g_ref[...] = jnp.concatenate([g, jnp.zeros((1, 8), F32)], axis=1)
    al_self = als + ald
    lr_self = jnp.maximum(al_self, 0.2 * al_self)
    exs_ref[...] = jnp.exp(lr_self - g)


def _lin(xf, W, A_src, A_dst):
    fout = W.shape[1]
    return pl.pallas_call(
        _lin_body,
        out_shape=(
            jax.ShapeDtypeStruct((NFLAT, fout), F32),
            jax.ShapeDtypeStruct((N, H), F32),
            jax.ShapeDtypeStruct((N, H), F32),
            jax.ShapeDtypeStruct((N, H), F32),
            jax.ShapeDtypeStruct((1, 16), F32),
        ),
    )(xf, W, A_src, A_dst)


def _sc_body(src_hbm, dst_hbm, ext_hbm, exs_hbm, c_hbm,
             src_v, dst_v, exh_v, exs_v, c_v):
    wid = lax.axis_index("c") * 16 + lax.axis_index("s")
    h = wid // 4
    q = wid % 4
    pltpu.sync_copy(src_hbm, src_v)
    pltpu.sync_copy(dst_hbm, dst_v)
    pltpu.sync_copy(ext_hbm.at[h], exh_v)
    pltpu.sync_copy(exs_hbm, exs_v)

    zero16 = jnp.zeros((16,), F32)

    def zrow(r, carry):
        for cc in range(32):
            c_v[r, pl.ds(cc * 16, 16)] = zero16
        return carry
    lax.fori_loop(0, 128, zrow, 0)

    hvec = jnp.full((16,), h, jnp.int32)
    lo = q * 128

    def edge_step(i, carry):
        for u in range(4):
            off = (i * 4 + u) * 16
            s16 = src_v[pl.ds(off, 16)]
            d16 = dst_v[pl.ds(off, 16)]
            ex = exh_v[pl.ds(off, 16)]
            rel = d16 - lo
            msk = (rel >= 0) & (rel < 128)
            relc = jnp.where(msk, rel, 0)
            plsc.addupdate_scatter(c_v, [relc, s16], ex, mask=msk)
        return carry
    lax.fori_loop(0, E // 64, edge_step, 0)

    iota16 = lax.iota(jnp.int32, 16)

    def diag_step(j, carry):
        rel16 = j * 16 + iota16
        d16 = rel16 + lo
        val = plsc.load_gather(exs_v, [d16 * 8 + hvec])
        plsc.addupdate_scatter(c_v, [rel16, d16], val)
        return carry
    lax.fori_loop(0, 8, diag_step, 0)

    pltpu.sync_copy(c_v, c_hbm.at[h, pl.ds(q * 128, 128), :])


@functools.lru_cache(maxsize=None)
def _sc_scatter_kernel():
    return pl.kernel(
        _sc_body,
        out_type=jax.ShapeDtypeStruct((H, N, N), F32),
        mesh=plsc.VectorSubcoreMesh(core_axis_name="c", subcore_axis_name="s"),
        compiler_params=pltpu.CompilerParams(needs_layout_passes=False),
        scratch_types=[
            pltpu.VMEM((E,), jnp.int32),
            pltpu.VMEM((E,), jnp.int32),
            pltpu.VMEM((E,), F32),
            pltpu.VMEM((N * H,), F32),
            pltpu.VMEM((128, N), F32),
        ],
    )


def _sc_scatter(src, dst, ext, exs):
    return _sc_scatter_kernel()(src, dst, ext, exs)


_EC = 2048


def _edge_ex_body(s_ref, d_ref, as_ref, ad_ref, g_ref, ex_ref):
    s = s_ref[...]
    d = d_ref[...]
    ion = lax.broadcasted_iota(jnp.int32, (_EC, N), 1)
    sf = (s == ion).astype(F32)
    df = (d == ion).astype(F32)
    asg = jnp.dot(sf, as_ref[...], precision=HIGH, preferred_element_type=F32)
    adg = jnp.dot(df, ad_ref[...], precision=HIGH, preferred_element_type=F32)
    al = asg + adg
    lr = jnp.maximum(al, 0.2 * al)
    ex_ref[...] = jnp.exp(lr - g_ref[...][:, :H])


def _edge_ex(srcN, dstN, als, ald, g16):
    return pl.pallas_call(
        _edge_ex_body,
        grid=(E // _EC,),
        in_specs=[
            pl.BlockSpec((_EC, 1), lambda e: (e, 0)),
            pl.BlockSpec((_EC, 1), lambda e: (e, 0)),
            pl.BlockSpec((N, H), lambda e: (0, 0)),
            pl.BlockSpec((N, H), lambda e: (0, 0)),
            pl.BlockSpec((1, 16), lambda e: (0, 0)),
        ],
        out_specs=pl.BlockSpec((_EC, H), lambda e: (e, 0)),
        out_shape=jax.ShapeDtypeStruct((E, H), F32),
    )(srcN, dstN, als, ald, g16)


def _agg_head(ch, front):
    denom = jnp.sum(ch, axis=1, keepdims=True) + 1e-16
    agg = jnp.dot(ch, front, precision=HIGH, preferred_element_type=F32)
    return agg / denom


def _agg1_body(c_ref, hw_ref, b_ref, out_ref):
    hw = hw_ref[...]
    bias = b_ref[...]
    for h in range(H):
        ch = c_ref[h]
        front = hw[:N, h * 8:(h + 1) * 8]
        out_ref[:N, h * 8:(h + 1) * 8] = jnp.maximum(
            _agg_head(ch, front) + bias[:, h * 8:(h + 1) * 8], 0.0)
    out_ref[N:, :] = jnp.maximum(hw[N:, :] + bias, 0.0)


def _agg1(C, hw, bias):
    return pl.pallas_call(
        _agg1_body,
        out_shape=jax.ShapeDtypeStruct((NFLAT, H * 8), F32),
    )(C, hw, bias)


def _agg2_body(c_ref, hw_ref, b_ref, out_ref):
    hw = hw_ref[...]
    bias = b_ref[...]
    agg = _agg_head(c_ref[0], hw[:N, :])
    out_ref[:N, :] = jnp.maximum(agg + bias, 0.0)
    out_ref[N:, :] = jnp.maximum(hw[N:, :] + bias, 0.0)


def _agg2(C, hw, bias):
    fout = hw.shape[1]
    oc = fout // H
    return pl.pallas_call(
        _agg2_body,
        grid=(H,),
        in_specs=[
            pl.BlockSpec((1, N, N), lambda h: (h, 0, 0)),
            pl.BlockSpec((NFLAT, oc), lambda h: (0, h)),
            pl.BlockSpec((1, oc), lambda h: (0, h)),
        ],
        out_specs=pl.BlockSpec((NFLAT, oc), lambda h: (0, h)),
        out_shape=jax.ShapeDtypeStruct((NFLAT, fout), F32),
    )(C, hw, bias)


_KC = 16384
_KSTEPS = (N * H * 128) // _KC


def _head_body(f_ref, wa_ref, wv_ref, ba_ref, bv1_ref, wv2_ref, bv2_ref,
               wv3_ref, bv3_ref, out_ref, acca, accv):
    k = pl.program_id(0)

    @pl.when(k == 0)
    def _():
        acca[...] = jnp.zeros_like(acca)
        accv[...] = jnp.zeros_like(accv)

    f = f_ref[...]
    wa = wa_ref[...]
    wv = wv_ref[...]
    for b in range(4):
        fb = f[b:b + 1, :]
        acca[:, b:b + 1] += jnp.sum(wa * fb, axis=1, keepdims=True)
        accv[:, b:b + 1] += jnp.sum(wv * fb, axis=1, keepdims=True)

    @pl.when(k == _KSTEPS - 1)
    def _():
        adv = jnp.maximum(acca[...].T + ba_ref[...], 0.0)
        v = jnp.maximum(accv[...].T + bv1_ref[...], 0.0)
        v = jnp.maximum(jnp.dot(v, wv2_ref[...], precision=HIGH,
                                preferred_element_type=F32) + bv2_ref[...], 0.0)
        v = jnp.dot(v, wv3_ref[...], precision=HIGH,
                    preferred_element_type=F32) + bv3_ref[...]
        r = lax.broadcasted_iota(jnp.int32, (18, 18), 0) // 6
        c = lax.broadcasted_iota(jnp.int32, (18, 18), 1) // 6
        mmat = jnp.where(r == c, 1.0 / 6.0, 0.0).astype(F32)
        means = jnp.dot(adv, mmat, precision=HIGH, preferred_element_type=F32)
        out_ref[...] = adv - means + v


def _head(flat, W_adv, b_adv, W_v1, b_v1, W_v2, b_v2, W_v3, b_v3):
    return pl.pallas_call(
        _head_body,
        grid=(_KSTEPS,),
        in_specs=[
            pl.BlockSpec((4, _KC), lambda k: (0, k)),
            pl.BlockSpec((18, _KC), lambda k: (0, k)),
            pl.BlockSpec((64, _KC), lambda k: (0, k)),
            pl.BlockSpec((1, 18), lambda k: (0, 0)),
            pl.BlockSpec((1, 64), lambda k: (0, 0)),
            pl.BlockSpec((64, 64), lambda k: (0, 0)),
            pl.BlockSpec((1, 64), lambda k: (0, 0)),
            pl.BlockSpec((64, 1), lambda k: (0, 0)),
            pl.BlockSpec((1, 1), lambda k: (0, 0)),
        ],
        out_specs=pl.BlockSpec((4, 18), lambda k: (0, 0)),
        out_shape=jax.ShapeDtypeStruct((4, 18), F32),
        scratch_shapes=[
            pltpu.VMEM((18, 4), F32),
            pltpu.VMEM((64, 4), F32),
        ],
    )(flat, W_adv.T, W_v1.T, b_adv, b_v1, W_v2, b_v2, W_v3, b_v3)


def _alpha_mat(a):
    af = a[0]
    o = af.shape[1]
    return (jnp.eye(H, dtype=F32)[:, None, :] * af[:, :, None]).reshape(H * o, H)


def _gat_layer(h_in, src, dst, W, a_src, a_dst, bias, agg_fn):
    hw, als, ald, exs, g16 = _lin(h_in, W, _alpha_mat(a_src), _alpha_mat(a_dst))
    ex = _edge_ex(src.reshape(E, 1), dst.reshape(E, 1), als, ald, g16)
    C = _sc_scatter(src, dst, ex.T, exs.reshape(-1))
    return agg_fn(C, hw, bias.reshape(1, -1))


def kernel(x, edge_index, W1, a_src1, a_dst1, b1, W2, a_src2, a_dst2, b2,
           W_adv, b_adv, W_v1, b_v1, W_v2, b_v2, W_v3, b_v3):
    B = x.shape[0]
    xf = x.reshape(B * N, -1)
    src = edge_index[0]
    dst = edge_index[1]
    h1 = _gat_layer(xf, src, dst, W1, a_src1, a_dst1, b1, _agg1)
    h2 = _gat_layer(h1, src, dst, W2, a_src2, a_dst2, b2, _agg2)
    flat = h2.reshape(B, -1)
    out18 = _head(flat, W_adv, b_adv.reshape(1, -1), W_v1, b_v1.reshape(1, -1),
                  W_v2, b_v2.reshape(1, -1), W_v3, b_v3.reshape(1, 1))
    return out18.reshape(B, 3, 6)

# --- scband reference (transcript-rebuilt; emitter-appended) ---
"""Pipeline reference for scband-bhs-gat-16724602651177 (READ-ONLY COPY).

The authoritative reference and input builder live on the scoring server;
editing this copy changes nothing except your own understanding.
"""

import jax, jax.numpy as jnp
import numpy as np

N_NODES = 512
D_FEAT = 128
BATCH = 4
N_EDGES = 16384
HEADS = 8
OUT1 = 8
OUT2 = 128
N_ACTION_BRANCHES = 3
ACTIONS_PER_BRANCH = 6
FEAT_SIZE = N_NODES * HEADS * OUT2


def _gat_conv(x, src, dst, W, a_src, a_dst, bias, heads, out_ch, num_nodes):
    # PyG GATConv (eval mode, concat=True, add_self_loops handled by caller)
    h = (x @ W).reshape(num_nodes, heads, out_ch)
    alpha_src = (h * a_src).sum(-1)  # [N, heads]
    alpha_dst = (h * a_dst).sum(-1)  # [N, heads]
    alpha = alpha_src[src] + alpha_dst[dst]  # [E, heads]
    alpha = jax.nn.leaky_relu(alpha, 0.2)
    amax = jax.ops.segment_max(alpha, dst, num_segments=num_nodes)
    amax = jax.lax.stop_gradient(jnp.where(jnp.isfinite(amax), amax, 0.0))
    ex = jnp.exp(alpha - amax[dst])
    denom = jax.ops.segment_sum(ex, dst, num_segments=num_nodes)
    coef = ex / (denom[dst] + 1e-16)
    out = jax.ops.segment_sum(h[src] * coef[..., None], dst, num_segments=num_nodes)
    return out.reshape(num_nodes, heads * out_ch) + bias


def setup_inputs(seed: int = 0):
    key = jax.random.key(seed)
    ks = jax.random.split(key, 18)
    inp = {}
    inp["x"] = jax.random.normal(ks[0], (BATCH, N_NODES, D_FEAT), dtype=jnp.float32)
    inp["edge_index"] = jax.random.randint(ks[1], (2, N_EDGES), 0, N_NODES)
    inp["W1"] = jax.random.normal(ks[2], (D_FEAT, HEADS * OUT1), dtype=jnp.float32) / np.sqrt(D_FEAT)
    inp["a_src1"] = jax.random.normal(ks[3], (1, HEADS, OUT1), dtype=jnp.float32) * 0.1
    inp["a_dst1"] = jax.random.normal(ks[4], (1, HEADS, OUT1), dtype=jnp.float32) * 0.1
    inp["b1"] = jnp.zeros((HEADS * OUT1,), dtype=jnp.float32)
    inp["W2"] = jax.random.normal(ks[5], (HEADS * OUT1, HEADS * OUT2), dtype=jnp.float32) / np.sqrt(HEADS * OUT1)
    inp["a_src2"] = jax.random.normal(ks[6], (1, HEADS, OUT2), dtype=jnp.float32) * 0.1
    inp["a_dst2"] = jax.random.normal(ks[7], (1, HEADS, OUT2), dtype=jnp.float32) * 0.1
    inp["b2"] = jnp.zeros((HEADS * OUT2,), dtype=jnp.float32)
    inp["W_adv"] = jax.random.normal(ks[8], (FEAT_SIZE, N_ACTION_BRANCHES * ACTIONS_PER_BRANCH), dtype=jnp.float32) / np.sqrt(FEAT_SIZE)
    inp["b_adv"] = jnp.zeros((N_ACTION_BRANCHES * ACTIONS_PER_BRANCH,), dtype=jnp.float32)
    inp["W_v1"] = jax.random.normal(ks[9], (FEAT_SIZE, 64), dtype=jnp.float32) / np.sqrt(FEAT_SIZE)
    inp["b_v1"] = jnp.zeros((64,), dtype=jnp.float32)
    inp["W_v2"] = jax.random.normal(ks[10], (64, 64), dtype=jnp.float32) / 8.0
    inp["b_v2"] = jnp.zeros((64,), dtype=jnp.float32)
    inp["W_v3"] = jax.random.normal(ks[11], (64, 1), dtype=jnp.float32) / 8.0
    inp["b_v3"] = jnp.zeros((1,), dtype=jnp.float32)
    return inp


def reference(x, edge_index, W1, a_src1, a_dst1, b1, W2, a_src2, a_dst2, b2, W_adv, b_adv, W_v1, b_v1, W_v2, b_v2, W_v3, b_v3):
    B = x.shape[0]
    n_flat = B * N_NODES
    xf = x.reshape(n_flat, D_FEAT)
    # add self-loops over all flattened nodes (PyG add_self_loops with num_nodes = x.size(0))
    loop = jnp.arange(n_flat, dtype=edge_index.dtype)
    src = jnp.concatenate([edge_index[0], loop])
    dst = jnp.concatenate([edge_index[1], loop])
    h1 = jax.nn.relu(_gat_conv(xf, src, dst, W1, a_src1, a_dst1, b1, HEADS, OUT1, n_flat))
    h2 = jax.nn.relu(_gat_conv(h1, src, dst, W2, a_src2, a_dst2, b2, HEADS, OUT2, n_flat))
    flat = h2.reshape(B, -1)
    adv = jax.nn.relu(flat @ W_adv + b_adv).reshape(B, N_ACTION_BRANCHES, ACTIONS_PER_BRANCH)
    v = jax.nn.relu(flat @ W_v1 + b_v1)
    v = jax.nn.relu(v @ W_v2 + b_v2)
    v = v @ W_v3 + b_v3  # [B, 1]
    return v[:, :, None] + adv - adv.mean(-1, keepdims=True)

if __name__ == "__main__":
    import jax
    _d = setup_inputs()
    print(jax.jit(kernel)(*tuple(_d.values())))

</pallas_src>

<mosaic_0001>
#map = affine_map<(d0, d1) -> (0)>
#map1 = affine_map<(d0, d1) -> (0, 0)>
#map2 = affine_map<(d0, d1) -> (0, 0, 0)>
module attributes {stable_mosaic.version = 14 : i64} {
  func.func @_sc_body(%arg0: i32, %arg1: i32, %arg2: memref<16384xi32, #tpu.memory_space<hbm>>, %arg3: memref<16384xi32, #tpu.memory_space<hbm>>, %arg4: memref<8x16384xf32, #tpu.memory_space<hbm>>, %arg5: memref<4096xf32, #tpu.memory_space<hbm>>, %arg6: memref<8x512x512xf32, #tpu.memory_space<hbm>>, %arg7: memref<16384xi32, #tpu.memory_space<vmem>>, %arg8: memref<16384xi32, #tpu.memory_space<vmem>>, %arg9: memref<16384xf32, #tpu.memory_space<vmem>>, %arg10: memref<4096xf32, #tpu.memory_space<vmem>>, %arg11: memref<128x512xf32, #tpu.memory_space<vmem>>) attributes {dimension_semantics = [#tpu.dimension_semantics<core_parallel>, #tpu.dimension_semantics<subcore_parallel>], iteration_bounds = array<i64: 2, 16>, scalar_prefetch = 0 : i64, scratch_operands = 5 : i64, tpu.core_type = #tpu.core_type<sc_vector_subcore>, window_params = [{transform_indices = #map}, {transform_indices = #map}, {transform_indices = #map1}, {transform_indices = #map}, {transform_indices = #map2}]} {
    %mul3A = arith.constant 16 : i32
    %mul3A_0 = arith.muli %arg0, %mul3A : i32
    %add3A = arith.addi %mul3A_0, %arg1 : i32
    %jit3A = arith.constant 4 : i32
    %div3A = arith.divsi %add3A, %jit3A : i32
    %sign3A = arith.constant 0 : i32
    %sign3A_1 = arith.cmpi sgt, %add3A, %sign3A : i32
    %sign3A_2 = arith.extui %sign3A_1 : i1 to i32
    %sign3A_3 = arith.constant 0 : i32
    %sign3A_4 = arith.cmpi slt, %add3A, %sign3A_3 : i32
    %sign3A_5 = arith.extui %sign3A_4 : i1 to i32
    %sign3A_6 = arith.subi %sign3A_2, %sign3A_5 : i32
    %sign3A_7 = arith.constant 0 : i32
    %sign3A_8 = arith.cmpi sgt, %jit3A, %sign3A_7 : i32
    %sign3A_9 = arith.extui %sign3A_8 : i1 to i32
    %sign3A_10 = arith.constant 0 : i32
    %sign3A_11 = arith.cmpi slt, %jit3A, %sign3A_10 : i32
    %sign3A_12 = arith.extui %sign3A_11 : i1 to i32
    %sign3A_13 = arith.subi %sign3A_9, %sign3A_12 : i32
    %ne3A = arith.cmpi ne, %sign3A_6, %sign3A_13 : i32
    %rem3A = arith.remsi %add3A, %jit3A : i32
    %ne3A_14 = arith.constant 0 : i32
    %ne3A_15 = arith.cmpi ne, %rem3A, %ne3A_14 : i32
    %and3A = arith.andi %ne3A, %ne3A_15 : i1
    %sub3A = arith.constant 1 : i32
    %sub3A_16 = arith.subi %div3A, %sub3A : i32
    %select_n3A = arith.select %and3A, %sub3A_16, %div3A : i32
    %jit3A_17 = arith.constant 4 : i32
    %eq3A = arith.constant 0 : i32
    %eq3A_18 = arith.cmpi eq, %jit3A_17, %eq3A : i32
    %jit3A_19 = arith.constant 1 : i32
    %select_n3A_20 = arith.select %eq3A_18, %jit3A_19, %jit3A_17 : i32
    %rem3A_21 = arith.remsi %add3A, %select_n3A_20 : i32
    %ne3A_22 = arith.constant 0 : i32
    %ne3A_23 = arith.cmpi ne, %rem3A_21, %ne3A_22 : i32
    %lt3A = arith.constant 0 : i32
    %lt3A_24 = arith.cmpi slt, %rem3A_21, %lt3A : i32
    %lt3A_25 = arith.constant 0 : i32
    %lt3A_26 = arith.cmpi slt, %select_n3A_20, %lt3A_25 : i32
    %ne3A_27 = arith.xori %lt3A_24, %lt3A_26 : i1
    %and3A_28 = arith.andi %ne3A_27, %ne3A_23 : i1
    %add3A_29 = arith.addi %rem3A_21, %select_n3A_20 : i32
    %select_n3A_30 = arith.select %and3A_28, %add3A_29, %rem3A_21 : i32
    "tpu.region"() ({
      %run_scoped3A = tpu.sem_alloc : memref<!tpu.dma_semaphore, #tpu.memory_space<semaphore_mem>>
      tpu.enqueue_dma source(%arg2 : memref<16384xi32, #tpu.memory_space<hbm>>) target(%arg7 : memref<16384xi32, #tpu.memory_space<vmem>>) target_semaphore(%run_scoped3A : memref<!tpu.dma_semaphore, #tpu.memory_space<semaphore_mem>>)
      tpu.wait_dma2 semaphore(%run_scoped3A : memref<!tpu.dma_semaphore, #tpu.memory_space<semaphore_mem>>) src(%arg2 : memref<16384xi32, #tpu.memory_space<hbm>>) dst(%arg7 : memref<16384xi32, #tpu.memory_space<vmem>>)
      tpu.yield
    }) : () -> ()
    "tpu.region"() ({
      %run_scoped3A = tpu.sem_alloc : memref<!tpu.dma_semaphore, #tpu.memory_space<semaphore_mem>>
      tpu.enqueue_dma source(%arg3 : memref<16384xi32, #tpu.memory_space<hbm>>) target(%arg8 : memref<16384xi32, #tpu.memory_space<vmem>>) target_semaphore(%run_scoped3A : memref<!tpu.dma_semaphore, #tpu.memory_space<semaphore_mem>>)
      tpu.wait_dma2 semaphore(%run_scoped3A : memref<!tpu.dma_semaphore, #tpu.memory_space<semaphore_mem>>) src(%arg3 : memref<16384xi32, #tpu.memory_space<hbm>>) dst(%arg8 : memref<16384xi32, #tpu.memory_space<vmem>>)
      tpu.yield
    }) : () -> ()
    "tpu.region"() ({
      %run_scoped3A = tpu.sem_alloc : memref<!tpu.dma_semaphore, #tpu.memory_space<semaphore_mem>>
      %dma_start3A = arith.constant 0 : i32
      %dma_start3A_54 = tpu.memref_slice %arg4[%select_n3A, %dma_start3A] : memref<8x16384xf32, #tpu.memory_space<hbm>> -> memref<1x16384xf32, #tpu.memory_space<hbm>>
      %dma_start3A_55 = tpu.memref_squeeze %dma_start3A_54 : memref<1x16384xf32, #tpu.memory_space<hbm>> -> memref<16384xf32, #tpu.memory_space<hbm>>
      %dma_start3A_56 = arith.constant 0 : i32
      %dma_start3A_57 = tpu.memref_slice %arg4[%select_n3A, %dma_start3A_56] : memref<8x16384xf32, #tpu.memory_space<hbm>> -> memref<1x16384xf32, #tpu.memory_space<hbm>>
      %dma_start3A_58 = tpu.memref_squeeze %dma_start3A_57 : memref<1x16384xf32, #tpu.memory_space<hbm>> -> memref<16384xf32, #tpu.memory_space<hbm>>
      tpu.enqueue_dma source(%dma_start3A_58 : memref<16384xf32, #tpu.memory_space<hbm>>) target(%arg9 : memref<16384xf32, #tpu.memory_space<vmem>>) target_semaphore(%run_scoped3A : memref<!tpu.dma_semaphore, #tpu.memory_space<semaphore_mem>>)
      %dma_wait3A = arith.constant 0 : i32
      %dma_wait3A_59 = tpu.memref_slice %arg4[%select_n3A, %dma_wait3A] : memref<8x16384xf32, #tpu.memory_space<hbm>> -> memref<1x16384xf32, #tpu.memory_space<hbm>>
      %dma_wait3A_60 = tpu.memref_squeeze %dma_wait3A_59 : memref<1x16384xf32, #tpu.memory_space<hbm>> -> memref<16384xf32, #tpu.memory_space<hbm>>
      %dma_wait3A_61 = arith.constant 0 : i32
      %dma_wait3A_62 = tpu.memref_slice %arg4[%select_n3A, %dma_wait3A_61] : memref<8x16384xf32, #tpu.memory_space<hbm>> -> memref<1x16384xf32, #tpu.memory_space<hbm>>
      %dma_wait3A_63 = tpu.memref_squeeze %dma_wait3A_62 : memref<1x16384xf32, #tpu.memory_space<hbm>> -> memref<16384xf32, #tpu.memory_space<hbm>>
      tpu.wait_dma2 semaphore(%run_scoped3A : memref<!tpu.dma_semaphore, #tpu.memory_space<semaphore_mem>>) src(%dma_wait3A_63 : memref<16384xf32, #tpu.memory_space<hbm>>) dst(%arg9 : memref<16384xf32, #tpu.memory_space<vmem>>)
      tpu.yield
    }) : () -> ()
    "tpu.region"() ({
      %run_scoped3A = tpu.sem_alloc : memref<!tpu.dma_semaphore, #tpu.memory_space<semaphore_mem>>
      tpu.enqueue_dma source(%arg5 : memref<4096xf32, #tpu.memory_space<hbm>>) target(%arg10 : memref<4096xf32, #tpu.memory_space<vmem>>) target_semaphore(%run_scoped3A : memref<!tpu.dma_semaphore, #tpu.memory_space<semaphore_mem>>)
      tpu.wait_dma2 semaphore(%run_scoped3A : memref<!tpu.dma_semaphore, #tpu.memory_space<semaphore_mem>>) src(%arg5 : memref<4096xf32, #tpu.memory_space<hbm>>) dst(%arg10 : memref<4096xf32, #tpu.memory_space<vmem>>)
      tpu.yield
    }) : () -> ()
    %broadcast_in_dim3A = arith.constant 0.000000e+00 : f32
    %broadcast_in_dim3A_31 = vector.broadcast %broadcast_in_dim3A : f32 to vector<16xf32>
    %scan3A = arith.constant 0 : i32
    %scan3A_32 = arith.constant 0 : i32
    %scan3A_33 = arith.constant 128 : i32
    %scan3A_34 = arith.addi %scan3A_32, %scan3A_33 : i32
    %scan3A_35 = arith.constant 1 : i32
    scf.for %scan3A_54 = %scan3A_32 to %scan3A_34 step %scan3A_35  : i32 {
      %swap3A = arith.index_cast %scan3A_54 : i32 to index
      %swap3A_55 = arith.constant 0 : index
      %swap3A_56 = tpu.vector_load %arg11[%swap3A, %swap3A_55] {strides = array<i32>} : memref<128x512xf32, #tpu.memory_space<vmem>>, vector<16xf32>,
      tpu.vector_store %arg11[%swap3A, %swap3A_55], %broadcast_in_dim3A_31 {strides = array<i32>} : memref<128x512xf32, #tpu.memory_space<vmem>>, vector<16xf32>,
      %swap3A_57 = arith.index_cast %scan3A_54 : i32 to index
      %swap3A_58 = arith.constant 16 : index
      %swap3A_59 = tpu.vector_load %arg11[%swap3A_57, %swap3A_58] {strides = array<i32>} : memref<128x512xf32, #tpu.memory_space<vmem>>, vector<16xf32>,
      tpu.vector_store %arg11[%swap3A_57, %swap3A_58], %broadcast_in_dim3A_31 {strides = array<i32>} : memref<128x512xf32, #tpu.memory_space<vmem>>, vector<16xf32>,
      %swap3A_60 = arith.index_cast %scan3A_54 : i32 to index
      %swap3A_61 = arith.constant 32 : index
      %swap3A_62 = tpu.vector_load %arg11[%swap3A_60, %swap3A_61] {strides = array<i32>} : memref<128x512xf32, #tpu.memory_space<vmem>>, vector<16xf32>,
      tpu.vector_store %arg11[%swap3A_60, %swap3A_61], %broadcast_in_dim3A_31 {strides = array<i32>} : memref<128x512xf32, #tpu.memory_space<vmem>>, vector<16xf32>,
      %swap3A_63 = arith.index_cast %scan3A_54 : i32 to index
      %swap3A_64 = arith.constant 48 : index
      %swap3A_65 = tpu.vector_load %arg11[%swap3A_63, %swap3A_64] {strides = array<i32>} : memref<128x512xf32, #tpu.memory_space<vmem>>, vector<16xf32>,
      tpu.vector_store %arg11[%swap3A_63, %swap3A_64], %broadcast_in_dim3A_31 {strides = array<i32>} : memref<128x512xf32, #tpu.memory_space<vmem>>, vector<16xf32>,
      %swap3A_66 = arith.index_cast %scan3A_54 : i32 to index
      %swap3A_67 = arith.constant 64 : index
      %swap3A_68 = tpu.vector_load %arg11[%swap3A_66, %swap3A_67] {strides = array<i32>} : memref<128x512xf32, #tpu.memory_space<vmem>>, vector<16xf32>,
      tpu.vector_store %arg11[%swap3A_66, %swap3A_67], %broadcast_in_dim3A_31 {strides = array<i32>} : memref<128x512xf32, #tpu.memory_space<vmem>>, vector<16xf32>,
      %swap3A_69 = arith.index_cast %scan3A_54 : i32 to index
      %swap3A_70 = arith.constant 80 : index
      %swap3A_71 = tpu.vector_load %arg11[%swap3A_69, %swap3A_70] {strides = array<i32>} : memref<128x512xf32, #tpu.memory_space<vmem>>, vector<16xf32>,
      tpu.vector_store %arg11[%swap3A_69, %swap3A_70], %broadcast_in_dim3A_31 {strides = array<i32>} : memref<128x512xf32, #tpu.memory_space<vmem>>, vector<16xf32>,
      %swap3A_72 = arith.index_cast %scan3A_54 : i32 to index
      %swap3A_73 = arith.constant 96 : index
      %swap3A_74 = tpu.vector_load %arg11[%swap3A_72, %swap3A_73] {strides = array<i32>} : memref<128x512xf32, #tpu.memory_space<vmem>>, vector<16xf32>,
      tpu.vector_store %arg11[%swap3A_72, %swap3A_73], %broadcast_in_dim3A_31 {strides = array<i32>} : memref<128x512xf32, #tpu.memory_space<vmem>>, vector<16xf32>,
      %swap3A_75 = arith.index_cast %scan3A_54 : i32 to index
      %swap3A_76 = arith.constant 112 : index
      %swap3A_77 = tpu.vector_load %arg11[%swap3A_75, %swap3A_76] {strides = array<i32>} : memref<128x512xf32, #tpu.memory_space<vmem>>, vector<16xf32>,
      tpu.vector_store %arg11[%swap3A_75, %swap3A_76], %broadcast_in_dim3A_31 {strides = array<i32>} : memref<128x512xf32, #tpu.memory_space<vmem>>, vector<16xf32>,
      %swap3A_78 = arith.index_cast %scan3A_54 : i32 to index
      %swap3A_79 = arith.constant 128 : index
      %swap3A_80 = tpu.vector_load %arg11[%swap3A_78, %swap3A_79] {strides = array<i32>} : memref<128x512xf32, #tpu.memory_space<vmem>>, vector<16xf32>,
      tpu.vector_store %arg11[%swap3A_78, %swap3A_79], %broadcast_in_dim3A_31 {strides = array<i32>} : memref<128x512xf32, #tpu.memory_space<vmem>>, vector<16xf32>,
      %swap3A_81 = arith.index_cast %scan3A_54 : i32 to index
      %swap3A_82 = arith.constant 144 : index
      %swap3A_83 = tpu.vector_load %arg11[%swap3A_81, %swap3A_82] {strides = array<i32>} : memref<128x512xf32, #tpu.memory_space<vmem>>, vector<16xf32>,
      tpu.vector_store %arg11[%swap3A_81, %swap3A_82], %broadcast_in_dim3A_31 {strides = array<i32>} : memref<128x512xf32, #tpu.memory_space<vmem>>, vector<16xf32>,
      %swap3A_84 = arith.index_cast %scan3A_54 : i32 to index
      %swap3A_85 = arith.constant 160 : index
      %swap3A_86 = tpu.vector_load %arg11[%swap3A_84, %swap3A_85] {strides = array<i32>} : memref<128x512xf32, #tpu.memory_space<vmem>>, vector<16xf32>,
      tpu.vector_store %arg11[%swap3A_84, %swap3A_85], %broadcast_in_dim3A_31 {strides = array<i32>} : memref<128x512xf32, #tpu.memory_space<vmem>>, vector<16xf32>,
      %swap3A_87 = arith.index_cast %scan3A_54 : i32 to index
      %swap3A_88 = arith.constant 176 : index
      %swap3A_89 = tpu.vector_load %arg11[%swap3A_87, %swap3A_88] {strides = array<i32>} : memref<128x512xf32, #tpu.memory_space<vmem>>, vector<16xf32>,
      tpu.vector_store %arg11[%swap3A_87, %swap3A_88], %broadcast_in_dim3A_31 {strides = array<i32>} : memref<128x512xf32, #tpu.memory_space<vmem>>, vector<16xf32>,
      %swap3A_90 = arith.index_cast %scan3A_54 : i32 to index
      %swap3A_91 = arith.constant 192 : index
      %swap3A_92 = tpu.vector_load %arg11[%swap3A_90, %swap3A_91] {strides = array<i32>} : memref<128x512xf32, #tpu.memory_space<vmem>>, vector<16xf32>,
      tpu.vector_store %arg11[%swap3A_90, %swap3A_91], %broadcast_in_dim3A_31 {strides = array<i32>} : memref<128x512xf32, #tpu.memory_space<vmem>>, vector<16xf32>,
      %swap3A_93 = arith.index_cast %scan3A_54 : i32 to index
      %swap3A_94 = arith.constant 208 : index
      %swap3A_95 = tpu.vector_load %arg11[%swap3A_93, %swap3A_94] {strides = array<i32>} : memref<128x512xf32, #tpu.memory_space<vmem>>, vector<16xf32>,
      tpu.vector_store %arg11[%swap3A_93, %swap3A_94], %broadcast_in_dim3A_31 {strides = array<i32>} : memref<128x512xf32, #tpu.memory_space<vmem>>, vector<16xf32>,
      %swap3A_96 = arith.index_cast %scan3A_54 : i32 to index
      %swap3A_97 = arith.constant 224 : index
      %swap3A_98 = tpu.vector_load %arg11[%swap3A_96, %swap3A_97] {strides = array<i32>} : memref<128x512xf32, #tpu.memory_space<vmem>>, vector<16xf32>,
      tpu.vector_store %arg11[%swap3A_96, %swap3A_97], %broadcast_in_dim3A_31 {strides = array<i32>} : memref<128x512xf32, #tpu.memory_space<vmem>>, vector<16xf32>,
      %swap3A_99 = arith.index_cast %scan3A_54 : i32 to index
      %swap3A_100 = arith.constant 240 : index
      %swap3A_101 = tpu.vector_load %arg11[%swap3A_99, %swap3A_100] {strides = array<i32>} : memref<128x512xf32, #tpu.memory_space<vmem>>, vector<16xf32>,
      tpu.vector_store %arg11[%swap3A_99, %swap3A_100], %broadcast_in_dim3A_31 {strides = array<i32>} : memref<128x512xf32, #tpu.memory_space<vmem>>, vector<16xf32>,
      %swap3A_102 = arith.index_cast %scan3A_54 : i32 to index
      %swap3A_103 = arith.constant 256 : index
      %swap3A_104 = tpu.vector_load %arg11[%swap3A_102, %swap3A_103] {strides = array<i32>} : memref<128x512xf32, #tpu.memory_space<vmem>>, vector<16xf32>,
      tpu.vector_store %arg11[%swap3A_102, %swap3A_103], %broadcast_in_dim3A_31 {strides = array<i32>} : memref<128x512xf32, #tpu.memory_space<vmem>>, vector<16xf32>,
      %swap3A_105 = arith.index_cast %scan3A_54 : i32 to index
      %swap3A_106 = arith.constant 272 : index
      %swap3A_107 = tpu.vector_load %arg11[%swap3A_105, %swap3A_106] {strides = array<i32>} : memref<128x512xf32, #tpu.memory_space<vmem>>, vector<16xf32>,
      tpu.vector_store %arg11[%swap3A_105, %swap3A_106], %broadcast_in_dim3A_31 {strides = array<i32>} : memref<128x512xf32, #tpu.memory_space<vmem>>, vector<16xf32>,
      %swap3A_108 = arith.index_cast %scan3A_54 : i32 to index
      %swap3A_109 = arith.constant 288 : index
      %swap3A_110 = tpu.vector_load %arg11[%swap3A_108, %swap3A_109] {strides = array<i32>} : memref<128x512xf32, #tpu.memory_space<vmem>>, vector<16xf32>,
      tpu.vector_store %arg11[%swap3A_108, %swap3A_109], %broadcast_in_dim3A_31 {strides = array<i32>} : memref<128x512xf32, #tpu.memory_space<vmem>>, vector<16xf32>,
      %swap3A_111 = arith.index_cast %scan3A_54 : i32 to index
      %swap3A_112 = arith.constant 304 : index
      %swap3A_113 = tpu.vector_load %arg11[%swap3A_111, %swap3A_112] {strides = array<i32>} : memref<128x512xf32, #tpu.memory_space<vmem>>, vector<16xf32>,
      tpu.vector_store %arg11[%swap3A_111, %swap3A_112], %broadcast_in_dim3A_31 {strides = array<i32>} : memref<128x512xf32, #tpu.memory_space<vmem>>, vector<16xf32>,
      %swap3A_114 = arith.index_cast %scan3A_54 : i32 to index
      %swap3A_115 = arith.constant 320 : index
      %swap3A_116 = tpu.vector_load %arg11[%swap3A_114, %swap3A_115] {strides = array<i32>} : memref<128x512xf32, #tpu.memory_space<vmem>>, vector<16xf32>,
      tpu.vector_store %arg11[%swap3A_114, %swap3A_115], %broadcast_in_dim3A_31 {strides = array<i32>} : memref<128x512xf32, #tpu.memory_space<vmem>>, vector<16xf32>,
      %swap3A_117 = arith.index_cast %scan3A_54 : i32 to index
      %swap3A_118 = arith.constant 336 : index
      %swap3A_119 = tpu.vector_load %arg11[%swap3A_117, %swap3A_118] {strides = array<i32>} : memref<128x512xf32, #tpu.memory_space<vmem>>, vector<16xf32>,
      tpu.vector_store %arg11[%swap3A_117, %swap3A_118], %broadcast_in_dim3A_31 {strides = array<i32>} : memref<128x512xf32, #tpu.memory_space<vmem>>, vector<16xf32>,
      %swap3A_120 = arith.index_cast %scan3A_54 : i32 to index
      %swap3A_121 = arith.constant 352 : index
      %swap3A_122 = tpu.vector_load %arg11[%swap3A_120, %swap3A_121] {strides = array<i32>} : memref<128x512xf32, #tpu.memory_space<vmem>>, vector<16xf32>,
      tpu.vector_store %arg11[%swap3A_120, %swap3A_121], %broadcast_in_dim3A_31 {strides = array<i32>} : memref<128x512xf32, #tpu.memory_space<vmem>>, vector<16xf32>,
      %swap3A_123 = arith.index_cast %scan3A_54 : i32 to index
      %swap3A_124 = arith.constant 368 : index
      %swap3A_125 = tpu.vector_load %arg11[%swap3A_123, %swap3A_124] {strides = array<i32>} : memref<128x512xf32, #tpu.memory_space<vmem>>, vector<16xf32>,
      tpu.vector_store %arg11[%swap3A_123, %swap3A_124], %broadcast_in_dim3A_31 {strides = array<i32>} : memref<128x512xf32, #tpu.memory_space<vmem>>, vector<16xf32>,
      %swap3A_126 = arith.index_cast %scan3A_54 : i32 to index
      %swap3A_127 = arith.constant 384 : index
      %swap3A_128 = tpu.vector_load %arg11[%swap3A_126, %swap3A_127] {strides = array<i32>} : memref<128x512xf32, #tpu.memory_space<vmem>>, vector<16xf32>,
      tpu.vector_store %arg11[%swap3A_126, %swap3A_127], %broadcast_in_dim3A_31 {strides = array<i32>} : memref<128x512xf32, #tpu.memory_space<vmem>>, vector<16xf32>,
      %swap3A_129 = arith.index_cast %scan3A_54 : i32 to index
      %swap3A_130 = arith.constant 400 : index
      %swap3A_131 = tpu.vector_load %arg11[%swap3A_129, %swap3A_130] {strides = array<i32>} : memref<128x512xf32, #tpu.memory_space<vmem>>, vector<16xf32>,
      tpu.vector_store %arg11[%swap3A_129, %swap3A_130], %broadcast_in_dim3A_31 {strides = array<i32>} : memref<128x512xf32, #tpu.memory_space<vmem>>, vector<16xf32>,
      %swap3A_132 = arith.index_cast %scan3A_54 : i32 to index
      %swap3A_133 = arith.constant 416 : index
      %swap3A_134 = tpu.vector_load %arg11[%swap3A_132, %swap3A_133] {strides = array<i32>} : memref<128x512xf32, #tpu.memory_space<vmem>>, vector<16xf32>,
      tpu.vector_store %arg11[%swap3A_132, %swap3A_133], %broadcast_in_dim3A_31 {strides = array<i32>} : memref<128x512xf32, #tpu.memory_space<vmem>>, vector<16xf32>,
      %swap3A_135 = arith.index_cast %scan3A_54 : i32 to index
      %swap3A_136 = arith.constant 432 : index
      %swap3A_137 = tpu.vector_load %arg11[%swap3A_135, %swap3A_136] {strides = array<i32>} : memref<128x512xf32, #tpu.memory_space<vmem>>, vector<16xf32>,
      tpu.vector_store %arg11[%swap3A_135, %swap3A_136], %broadcast_in_dim3A_31 {strides = array<i32>} : memref<128x512xf32, #tpu.memory_space<vmem>>, vector<16xf32>,
      %swap3A_138 = arith.index_cast %scan3A_54 : i32 to index
      %swap3A_139 = arith.constant 448 : index
      %swap3A_140 = tpu.vector_load %arg11[%swap3A_138, %swap3A_139] {strides = array<i32>} : memref<128x512xf32, #tpu.memory_space<vmem>>, vector<16xf32>,
      tpu.vector_store %arg11[%swap3A_138, %swap3A_139], %broadcast_in_dim3A_31 {strides = array<i32>} : memref<128x512xf32, #tpu.memory_space<vmem>>, vector<16xf32>,
      %swap3A_141 = arith.index_cast %scan3A_54 : i32 to index
      %swap3A_142 = arith.constant 464 : index
      %swap3A_143 = tpu.vector_load %arg11[%swap3A_141, %swap3A_142] {strides = array<i32>} : memref<128x512xf32, #tpu.memory_space<vmem>>, vector<16xf32>,
      tpu.vector_store %arg11[%swap3A_141, %swap3A_142], %broadcast_in_dim3A_31 {strides = array<i32>} : memref<128x512xf32, #tpu.memory_space<vmem>>, vector<16xf32>,
      %swap3A_144 = arith.index_cast %scan3A_54 : i32 to index
      %swap3A_145 = arith.constant 480 : index
      %swap3A_146 = tpu.vector_load %arg11[%swap3A_144, %swap3A_145] {strides = array<i32>} : memref<128x512xf32, #tpu.memory_space<vmem>>, vector<16xf32>,
      tpu.vector_store %arg11[%swap3A_144, %swap3A_145], %broadcast_in_dim3A_31 {strides = array<i32>} : memref<128x512xf32, #tpu.memory_space<vmem>>, vector<16xf32>,
      %swap3A_147 = arith.index_cast %scan3A_54 : i32 to index
      %swap3A_148 = arith.constant 496 : index
      %swap3A_149 = tpu.vector_load %arg11[%swap3A_147, %swap3A_148] {strides = array<i32>} : memref<128x512xf32, #tpu.memory_space<vmem>>, vector<16xf32>,
      tpu.vector_store %arg11[%swap3A_147, %swap3A_148], %broadcast_in_dim3A_31 {strides = array<i32>} : memref<128x512xf32, #tpu.memory_space<vmem>>, vector<16xf32>,
    }
    %scan3A_36 = arith.constant 128 : i32
    %broadcast_in_dim3A_37 = vector.broadcast %select_n3A : i32 to vector<16xi32>
    %mul3A_38 = arith.constant 128 : i32
    %mul3A_39 = arith.muli %select_n3A_30, %mul3A_38 : i32
    %scan3A_40 = arith.constant 0 : i32
    %scan3A_41 = arith.constant 0 : i32
    %scan3A_42 = arith.constant 256 : i32
    %scan3A_43 = arith.addi %scan3A_41, %scan3A_42 : i32
    %scan3A_44 = arith.constant 1 : i32
    scf.for %scan3A_54 = %scan3A_41 to %scan3A_43 step %scan3A_44  : i32 {
      %mul3A_55 = arith.constant 4 : i32
      %mul3A_56 = arith.muli %scan3A_54, %mul3A_55 : i32
      %add3A_57 = arith.constant 0 : i32
      %add3A_58 = arith.addi %mul3A_56, %add3A_57 : i32
      %mul3A_59 = arith.constant 16 : i32
      %mul3A_60 = arith.muli %add3A_58, %mul3A_59 : i32
      %get3A = arith.index_cast %mul3A_60 : i32 to index
      %get3A_61 = tpu.vector_load %arg7[%get3A] {strides = array<i32>} : memref<16384xi32, #tpu.memory_space<vmem>>, vector<16xi32>,
      %get3A_62 = arith.index_cast %mul3A_60 : i32 to index
      %get3A_63 = tpu.vector_load %arg8[%get3A_62] {strides = array<i32>} : memref<16384xi32, #tpu.memory_space<vmem>>, vector<16xi32>,
      %get3A_64 = arith.index_cast %mul3A_60 : i32 to index
      %get3A_65 = tpu.vector_load %arg9[%get3A_64] {strides = array<i32>} : memref<16384xf32, #tpu.memory_space<vmem>>, vector<16xf32>,
      %sub3A_66 = vector.broadcast %mul3A_39 : i32 to vector<16xi32>
      %sub3A_67 = arith.subi %get3A_63, %sub3A_66 : vector<16xi32>
      %ge3A = arith.constant 0 : i32
      %ge3A_68 = vector.broadcast %ge3A : i32 to vector<16xi32>
      %ge3A_69 = arith.cmpi sge, %sub3A_67, %ge3A_68 : vector<16xi32>
      %lt3A_70 = arith.constant 128 : i32
      %lt3A_71 = vector.broadcast %lt3A_70 : i32 to vector<16xi32>
      %lt3A_72 = arith.cmpi slt, %sub3A_67, %lt3A_71 : vector<16xi32>
      %and3A_73 = arith.andi %ge3A_69, %lt3A_72 : vector<16xi1>
      %jit3A_74 = arith.constant 0 : i32
      %broadcast_in_dim3A_75 = vector.broadcast %jit3A_74 : i32 to vector<16xi32>
      %select_n3A_76 = arith.select %and3A_73, %sub3A_67, %broadcast_in_dim3A_75 : vector<16xi1>, vector<16xi32>
      tpu.vector_store_idx %arg11[%select_n3A_76, %get3A_61], %get3A_65 masked %and3A_73 {add = true} : memref<128x512xf32, #tpu.memory_space<vmem>>[vector<16xi32>, vector<16xi32>], vector<16xf32>, vector<16xi1>
      %mul3A_77 = arith.constant 4 : i32
      %mul3A_78 = arith.muli %scan3A_54, %mul3A_77 : i32
      %add3A_79 = arith.constant 1 : i32
      %add3A_80 = arith.addi %mul3A_78, %add3A_79 : i32
      %mul3A_81 = arith.constant 16 : i32
      %mul3A_82 = arith.muli %add3A_80, %mul3A_81 : i32
      %get3A_83 = arith.index_cast %mul3A_82 : i32 to index
      %get3A_84 = tpu.vector_load %arg7[%get3A_83] {strides = array<i32>} : memref<16384xi32, #tpu.memory_space<vmem>>, vector<16xi32>,
      %get3A_85 = arith.index_cast %mul3A_82 : i32 to index
      %get3A_86 = tpu.vector_load %arg8[%get3A_85] {strides = array<i32>} : memref<16384xi32, #tpu.memory_space<vmem>>, vector<16xi32>,
      %get3A_87 = arith.index_cast %mul3A_82 : i32 to index
      %get3A_88 = tpu.vector_load %arg9[%get3A_87] {strides = array<i32>} : memref<16384xf32, #tpu.memory_space<vmem>>, vector<16xf32>,
      %sub3A_89 = vector.broadcast %mul3A_39 : i32 to vector<16xi32>
      %sub3A_90 = arith.subi %get3A_86, %sub3A_89 : vector<16xi32>
      %ge3A_91 = arith.constant 0 : i32
      %ge3A_92 = vector.broadcast %ge3A_91 : i32 to vector<16xi32>
      %ge3A_93 = arith.cmpi sge, %sub3A_90, %ge3A_92 : vector<16xi32>
      %lt3A_94 = arith.constant 128 : i32
      %lt3A_95 = vector.broadcast %lt3A_94 : i32 to vector<16xi32>
      %lt3A_96 = arith.cmpi slt, %sub3A_90, %lt3A_95 : vector<16xi32>
      %and3A_97 = arith.andi %ge3A_93, %lt3A_96 : vector<16xi1>
      %jit3A_98 = arith.constant 0 : i32
      %broadcast_in_dim3A_99 = vector.broadcast %jit3A_98 : i32 to vector<16xi32>
      %select_n3A_100 = arith.select %and3A_97, %sub3A_90, %broadcast_in_dim3A_99 : vector<16xi1>, vector<16xi32>
      tpu.vector_store_idx %arg11[%select_n3A_100, %get3A_84], %get3A_88 masked %and3A_97 {add = true} : memref<128x512xf32, #tpu.memory_space<vmem>>[vector<16xi32>, vector<16xi32>], vector<16xf32>, vector<16xi1>
      %mul3A_101 = arith.constant 4 : i32
      %mul3A_102 = arith.muli %scan3A_54, %mul3A_101 : i32
      %add3A_103 = arith.constant 2 : i32
      %add3A_104 = arith.addi %mul3A_102, %add3A_103 : i32
      %mul3A_105 = arith.constant 16 : i32
      %mul3A_106 = arith.muli %add3A_104, %mul3A_105 : i32
      %get3A_107 = arith.index_cast %mul3A_106 : i32 to index
      %get3A_108 = tpu.vector_load %arg7[%get3A_107] {strides = array<i32>} : memref<16384xi32, #tpu.memory_space<vmem>>, vector<16xi32>,
      %get3A_109 = arith.index_cast %mul3A_106 : i32 to index
      %get3A_110 = tpu.vector_load %arg8[%get3A_109] {strides = array<i32>} : memref<16384xi32, #tpu.memory_space<vmem>>, vector<16xi32>,
      %get3A_111 = arith.index_cast %mul3A_106 : i32 to index
      %get3A_112 = tpu.vector_load %arg9[%get3A_111] {strides = array<i32>} : memref<16384xf32, #tpu.memory_space<vmem>>, vector<16xf32>,
      %sub3A_113 = vector.broadcast %mul3A_39 : i32 to vector<16xi32>
      %sub3A_114 = arith.subi %get3A_110, %sub3A_113 : vector<16xi32>
      %ge3A_115 = arith.constant 0 : i32
      %ge3A_116 = vector.broadcast %ge3A_115 : i32 to vector<16xi32>
      %ge3A_117 = arith.cmpi sge, %sub3A_114, %ge3A_116 : vector<16xi32>
      %lt3A_118 = arith.constant 128 : i32
      %lt3A_119 = vector.broadcast %lt3A_118 : i32 to vector<16xi32>
      %lt3A_120 = arith.cmpi slt, %sub3A_114, %lt3A_119 : vector<16xi32>
      %and3A_121 = arith.andi %ge3A_117, %lt3A_120 : vector<16xi1>
      %jit3A_122 = arith.constant 0 : i32
      %broadcast_in_dim3A_123 = vector.broadcast %jit3A_122 : i32 to vector<16xi32>
      %select_n3A_124 = arith.select %and3A_121, %sub3A_114, %broadcast_in_dim3A_123 : vector<16xi1>, vector<16xi32>
      tpu.vector_store_idx %arg11[%select_n3A_124, %get3A_108], %get3A_112 masked %and3A_121 {add = true} : memref<128x512xf32, #tpu.memory_space<vmem>>[vector<16xi32>, vector<16xi32>], vector<16xf32>, vector<16xi1>
      %mul3A_125 = arith.constant 4 : i32
      %mul3A_126 = arith.muli %scan3A_54, %mul3A_125 : i32
      %add3A_127 = arith.constant 3 : i32
      %add3A_128 = arith.addi %mul3A_126, %add3A_127 : i32
      %mul3A_129 = arith.constant 16 : i32
      %mul3A_130 = arith.muli %add3A_128, %mul3A_129 : i32
      %get3A_131 = arith.index_cast %mul3A_130 : i32 to index
      %get3A_132 = tpu.vector_load %arg7[%get3A_131] {strides = array<i32>} : memref<16384xi32, #tpu.memory_space<vmem>>, vector<16xi32>,
      %get3A_133 = arith.index_cast %mul3A_130 : i32 to index
      %get3A_134 = tpu.vector_load %arg8[%get3A_133] {strides = array<i32>} : memref<16384xi32, #tpu.memory_space<vmem>>, vector<16xi32>,
      %get3A_135 = arith.index_cast %mul3A_130 : i32 to index
      %get3A_136 = tpu.vector_load %arg9[%get3A_135] {strides = array<i32>} : memref<16384xf32, #tpu.memory_space<vmem>>, vector<16xf32>,
      %sub3A_137 = vector.broadcast %mul3A_39 : i32 to vector<16xi32>
      %sub3A_138 = arith.subi %get3A_134, %sub3A_137 : vector<16xi32>
      %ge3A_139 = arith.constant 0 : i32
      %ge3A_140 = vector.broadcast %ge3A_139 : i32 to vector<16xi32>
      %ge3A_141 = arith.cmpi sge, %sub3A_138, %ge3A_140 : vector<16xi32>
      %lt3A_142 = arith.constant 128 : i32
      %lt3A_143 = vector.broadcast %lt3A_142 : i32 to vector<16xi32>
      %lt3A_144 = arith.cmpi slt, %sub3A_138, %lt3A_143 : vector<16xi32>
      %and3A_145 = arith.andi %ge3A_141, %lt3A_144 : vector<16xi1>
      %jit3A_146 = arith.constant 0 : i32
      %broadcast_in_dim3A_147 = vector.broadcast %jit3A_146 : i32 to vector<16xi32>
      %select_n3A_148 = arith.select %and3A_145, %sub3A_138, %broadcast_in_dim3A_147 : vector<16xi1>, vector<16xi32>
      tpu.vector_store_idx %arg11[%select_n3A_148, %get3A_132], %get3A_136 masked %and3A_145 {add = true} : memref<128x512xf32, #tpu.memory_space<vmem>>[vector<16xi32>, vector<16xi32>], vector<16xf32>, vector<16xi1>
    }
    %scan3A_45 = arith.constant 256 : i32
    %iota3A = tpu.iota {dimensions = array<i32: 0>} : vector<16xi32>
    %scan3A_46 = arith.constant 0 : i32
    %scan3A_47 = arith.constant 0 : i32
    %scan3A_48 = arith.constant 8 : i32
    %scan3A_49 = arith.addi %scan3A_47, %scan3A_48 : i32
    %scan3A_50 = arith.constant 1 : i32
    scf.for %scan3A_54 = %scan3A_47 to %scan3A_49 step %scan3A_50  : i32 {
      %mul3A_55 = arith.constant 16 : i32
      %mul3A_56 = arith.muli %scan3A_54, %mul3A_55 : i32
      %add3A_57 = vector.broadcast %mul3A_56 : i32 to vector<16xi32>
      %add3A_58 = arith.addi %add3A_57, %iota3A : vector<16xi32>
      %add3A_59 = vector.broadcast %mul3A_39 : i32 to vector<16xi32>
      %add3A_60 = arith.addi %add3A_58, %add3A_59 : vector<16xi32>
      %mul3A_61 = arith.constant 8 : i32
      %mul3A_62 = vector.broadcast %mul3A_61 : i32 to vector<16xi32>
      %mul3A_63 = arith.muli %add3A_60, %mul3A_62 : vector<16xi32>
      %add3A_64 = arith.addi %mul3A_63, %broadcast_in_dim3A_37 : vector<16xi32>
      %gather3A = tpu.vector_load_idx %arg10[%add3A_64] : memref<4096xf32, #tpu.memory_space<vmem>>[vector<16xi32>], vector<16xf32>,
      tpu.vector_store_idx %arg11[%add3A_58, %add3A_60], %gather3A {add = true} : memref<128x512xf32, #tpu.memory_space<vmem>>[vector<16xi32>, vector<16xi32>], vector<16xf32>,
    }
    %scan3A_51 = arith.constant 8 : i32
    %mul3A_52 = arith.constant 128 : i32
    %mul3A_53 = arith.muli %select_n3A_30, %mul3A_52 : i32
    "tpu.region"() ({
      %run_scoped3A = tpu.sem_alloc : memref<!tpu.dma_semaphore, #tpu.memory_space<semaphore_mem>>
      %dma_start3A = arith.constant 0 : i32
      %dma_start3A_54 = tpu.memref_slice %arg6[%select_n3A, %mul3A_53, %dma_start3A] : memref<8x512x512xf32, #tpu.memory_space<hbm>> -> memref<1x128x512xf32, #tpu.memory_space<hbm>>
      %dma_start3A_55 = tpu.memref_squeeze %dma_start3A_54 : memref<1x128x512xf32, #tpu.memory_space<hbm>> -> memref<128x512xf32, #tpu.memory_space<hbm>>
      %dma_start3A_56 = arith.constant 0 : i32
      %dma_start3A_57 = tpu.memref_slice %arg6[%select_n3A, %mul3A_53, %dma_start3A_56] : memref<8x512x512xf32, #tpu.memory_space<hbm>> -> memref<1x128x512xf32, #tpu.memory_space<hbm>>
      %dma_start3A_58 = tpu.memref_squeeze %dma_start3A_57 : memref<1x128x512xf32, #tpu.memory_space<hbm>> -> memref<128x512xf32, #tpu.memory_space<hbm>>
      tpu.enqueue_dma source(%arg11 : memref<128x512xf32, #tpu.memory_space<vmem>>) target(%dma_start3A_58 : memref<128x512xf32, #tpu.memory_space<hbm>>) target_semaphore(%run_scoped3A : memref<!tpu.dma_semaphore, #tpu.memory_space<semaphore_mem>>)
      %dma_wait3A = arith.constant 0 : i32
      %dma_wait3A_59 = tpu.memref_slice %arg6[%select_n3A, %mul3A_53, %dma_wait3A] : memref<8x512x512xf32, #tpu.memory_space<hbm>> -> memref<1x128x512xf32, #tpu.memory_space<hbm>>
      %dma_wait3A_60 = tpu.memref_squeeze %dma_wait3A_59 : memref<1x128x512xf32, #tpu.memory_space<hbm>> -> memref<128x512xf32, #tpu.memory_space<hbm>>
      %dma_wait3A_61 = arith.constant 0 : i32
      %dma_wait3A_62 = tpu.memref_slice %arg6[%select_n3A, %mul3A_53, %dma_wait3A_61] : memref<8x512x512xf32, #tpu.memory_space<hbm>> -> memref<1x128x512xf32, #tpu.memory_space<hbm>>
      %dma_wait3A_63 = tpu.memref_squeeze %dma_wait3A_62 : memref<1x128x512xf32, #tpu.memory_space<hbm>> -> memref<128x512xf32, #tpu.memory_space<hbm>>
      tpu.wait_dma2 semaphore(%run_scoped3A : memref<!tpu.dma_semaphore, #tpu.memory_space<semaphore_mem>>) src(%arg11 : memref<128x512xf32, #tpu.memory_space<vmem>>) dst(%dma_wait3A_63 : memref<128x512xf32, #tpu.memory_space<hbm>>)
      tpu.yield
    }) : () -> ()
    return
  }
}

#map = affine_map<(d0, d1) -> (0)>
#map1 = affine_map<(d0, d1) -> (0, 0)>
#map2 = affine_map<(d0, d1) -> (0, 0, 0)>
module attributes {stable_mosaic.version = 14 : i64} {
  func.func @_sc_body(%arg0: i32, %arg1: i32, %arg2: memref<16384xi32, #tpu.memory_space<hbm>>, %arg3: memref<16384xi32, #tpu.memory_space<hbm>>, %arg4: memref<8x16384xf32, #tpu.memory_space<hbm>>, %arg5: memref<4096xf32, #tpu.memory_space<hbm>>, %arg6: memref<8x512x512xf32, #tpu.memory_space<hbm>>, %arg7: memref<16384xi32, #tpu.memory_space<vmem>>, %arg8: memref<16384xi32, #tpu.memory_space<vmem>>, %arg9: memref<16384xf32, #tpu.memory_space<vmem>>, %arg10: memref<4096xf32, #tpu.memory_space<vmem>>, %arg11: memref<128x512xf32, #tpu.memory_space<vmem>>) attributes {dimension_semantics = [#tpu.dimension_semantics<core_parallel>, #tpu.dimension_semantics<subcore_parallel>], iteration_bounds = array<i64: 2, 16>, scalar_prefetch = 0 : i64, scratch_operands = 5 : i64, tpu.core_type = #tpu.core_type<sc_vector_subcore>, window_params = [{transform_indices = #map}, {transform_indices = #map}, {transform_indices = #map1}, {transform_indices = #map}, {transform_indices = #map2}]} {
    %mul3A = arith.constant 16 : i32
    %mul3A_0 = arith.muli %arg0, %mul3A : i32
    %add3A = arith.addi %mul3A_0, %arg1 : i32
    %jit3A = arith.constant 4 : i32
    %div3A = arith.divsi %add3A, %jit3A : i32
    %sign3A = arith.constant 0 : i32
    %sign3A_1 = arith.cmpi sgt, %add3A, %sign3A : i32
    %sign3A_2 = arith.extui %sign3A_1 : i1 to i32
    %sign3A_3 = arith.constant 0 : i32
    %sign3A_4 = arith.cmpi slt, %add3A, %sign3A_3 : i32
    %sign3A_5 = arith.extui %sign3A_4 : i1 to i32
    %sign3A_6 = arith.subi %sign3A_2, %sign3A_5 : i32
    %sign3A_7 = arith.constant 0 : i32
    %sign3A_8 = arith.cmpi sgt, %jit3A, %sign3A_7 : i32
    %sign3A_9 = arith.extui %sign3A_8 : i1 to i32
    %sign3A_10 = arith.constant 0 : i32
    %sign3A_11 = arith.cmpi slt, %jit3A, %sign3A_10 : i32
    %sign3A_12 = arith.extui %sign3A_11 : i1 to i32
    %sign3A_13 = arith.subi %sign3A_9, %sign3A_12 : i32
    %ne3A = arith.cmpi ne, %sign3A_6, %sign3A_13 : i32
    %rem3A = arith.remsi %add3A, %jit3A : i32
    %ne3A_14 = arith.constant 0 : i32
    %ne3A_15 = arith.cmpi ne, %rem3A, %ne3A_14 : i32
    %and3A = arith.andi %ne3A, %ne3A_15 : i1
    %sub3A = arith.constant 1 : i32
    %sub3A_16 = arith.subi %div3A, %sub3A : i32
    %select_n3A = arith.select %and3A, %sub3A_16, %div3A : i32
    %jit3A_17 = arith.constant 4 : i32
    %eq3A = arith.constant 0 : i32
    %eq3A_18 = arith.cmpi eq, %jit3A_17, %eq3A : i32
    %jit3A_19 = arith.constant 1 : i32
    %select_n3A_20 = arith.select %eq3A_18, %jit3A_19, %jit3A_17 : i32
    %rem3A_21 = arith.remsi %add3A, %select_n3A_20 : i32
    %ne3A_22 = arith.constant 0 : i32
    %ne3A_23 = arith.cmpi ne, %rem3A_21, %ne3A_22 : i32
    %lt3A = arith.constant 0 : i32
    %lt3A_24 = arith.cmpi slt, %rem3A_21, %lt3A : i32
    %lt3A_25 = arith.constant 0 : i32
    %lt3A_26 = arith.cmpi slt, %select_n3A_20, %lt3A_25 : i32
    %ne3A_27 = arith.xori %lt3A_24, %lt3A_26 : i1
    %and3A_28 = arith.andi %ne3A_27, %ne3A_23 : i1
    %add3A_29 = arith.addi %rem3A_21, %select_n3A_20 : i32
    %select_n3A_30 = arith.select %and3A_28, %add3A_29, %rem3A_21 : i32
    "tpu.region"() ({
      %run_scoped3A = tpu.sem_alloc : memref<!tpu.dma_semaphore, #tpu.memory_space<semaphore_mem>>
      tpu.enqueue_dma source(%arg2 : memref<16384xi32, #tpu.memory_space<hbm>>) target(%arg7 : memref<16384xi32, #tpu.memory_space<vmem>>) target_semaphore(%run_scoped3A : memref<!tpu.dma_semaphore, #tpu.memory_space<semaphore_mem>>)
      tpu.wait_dma2 semaphore(%run_scoped3A : memref<!tpu.dma_semaphore, #tpu.memory_space<semaphore_mem>>) src(%arg2 : memref<16384xi32, #tpu.memory_space<hbm>>) dst(%arg7 : memref<16384xi32, #tpu.memory_space<vmem>>)
      tpu.yield
    }) : () -> ()
    "tpu.region"() ({
      %run_scoped3A = tpu.sem_alloc : memref<!tpu.dma_semaphore, #tpu.memory_space<semaphore_mem>>
      tpu.enqueue_dma source(%arg3 : memref<16384xi32, #tpu.memory_space<hbm>>) target(%arg8 : memref<16384xi32, #tpu.memory_space<vmem>>) target_semaphore(%run_scoped3A : memref<!tpu.dma_semaphore, #tpu.memory_space<semaphore_mem>>)
      tpu.wait_dma2 semaphore(%run_scoped3A : memref<!tpu.dma_semaphore, #tpu.memory_space<semaphore_mem>>) src(%arg3 : memref<16384xi32, #tpu.memory_space<hbm>>) dst(%arg8 : memref<16384xi32, #tpu.memory_space<vmem>>)
      tpu.yield
    }) : () -> ()
    "tpu.region"() ({
      %run_scoped3A = tpu.sem_alloc : memref<!tpu.dma_semaphore, #tpu.memory_space<semaphore_mem>>
      %dma_start3A = arith.constant 0 : i32
      %dma_start3A_54 = tpu.memref_slice %arg4[%select_n3A, %dma_start3A] : memref<8x16384xf32, #tpu.memory_space<hbm>> -> memref<1x16384xf32, #tpu.memory_space<hbm>>
      %dma_start3A_55 = tpu.memref_squeeze %dma_start3A_54 : memref<1x16384xf32, #tpu.memory_space<hbm>> -> memref<16384xf32, #tpu.memory_space<hbm>>
      %dma_start3A_56 = arith.constant 0 : i32
      %dma_start3A_57 = tpu.memref_slice %arg4[%select_n3A, %dma_start3A_56] : memref<8x16384xf32, #tpu.memory_space<hbm>> -> memref<1x16384xf32, #tpu.memory_space<hbm>>
      %dma_start3A_58 = tpu.memref_squeeze %dma_start3A_57 : memref<1x16384xf32, #tpu.memory_space<hbm>> -> memref<16384xf32, #tpu.memory_space<hbm>>
      tpu.enqueue_dma source(%dma_start3A_58 : memref<16384xf32, #tpu.memory_space<hbm>>) target(%arg9 : memref<16384xf32, #tpu.memory_space<vmem>>) target_semaphore(%run_scoped3A : memref<!tpu.dma_semaphore, #tpu.memory_space<semaphore_mem>>)
      %dma_wait3A = arith.constant 0 : i32
      %dma_wait3A_59 = tpu.memref_slice %arg4[%select_n3A, %dma_wait3A] : memref<8x16384xf32, #tpu.memory_space<hbm>> -> memref<1x16384xf32, #tpu.memory_space<hbm>>
      %dma_wait3A_60 = tpu.memref_squeeze %dma_wait3A_59 : memref<1x16384xf32, #tpu.memory_space<hbm>> -> memref<16384xf32, #tpu.memory_space<hbm>>
      %dma_wait3A_61 = arith.constant 0 : i32
      %dma_wait3A_62 = tpu.memref_slice %arg4[%select_n3A, %dma_wait3A_61] : memref<8x16384xf32, #tpu.memory_space<hbm>> -> memref<1x16384xf32, #tpu.memory_space<hbm>>
      %dma_wait3A_63 = tpu.memref_squeeze %dma_wait3A_62 : memref<1x16384xf32, #tpu.memory_space<hbm>> -> memref<16384xf32, #tpu.memory_space<hbm>>
      tpu.wait_dma2 semaphore(%run_scoped3A : memref<!tpu.dma_semaphore, #tpu.memory_space<semaphore_mem>>) src(%dma_wait3A_63 : memref<16384xf32, #tpu.memory_space<hbm>>) dst(%arg9 : memref<16384xf32, #tpu.memory_space<vmem>>)
      tpu.yield
    }) : () -> ()
    "tpu.region"() ({
      %run_scoped3A = tpu.sem_alloc : memref<!tpu.dma_semaphore, #tpu.memory_space<semaphore_mem>>
      tpu.enqueue_dma source(%arg5 : memref<4096xf32, #tpu.memory_space<hbm>>) target(%arg10 : memref<4096xf32, #tpu.memory_space<vmem>>) target_semaphore(%run_scoped3A : memref<!tpu.dma_semaphore, #tpu.memory_space<semaphore_mem>>)
      tpu.wait_dma2 semaphore(%run_scoped3A : memref<!tpu.dma_semaphore, #tpu.memory_space<semaphore_mem>>) src(%arg5 : memref<4096xf32, #tpu.memory_space<hbm>>) dst(%arg10 : memref<4096xf32, #tpu.memory_space<vmem>>)
      tpu.yield
    }) : () -> ()
    %broadcast_in_dim3A = arith.constant 0.000000e+00 : f32
    %broadcast_in_dim3A_31 = vector.broadcast %broadcast_in_dim3A : f32 to vector<16xf32>
    %scan3A = arith.constant 0 : i32
    %scan3A_32 = arith.constant 0 : i32
    %scan3A_33 = arith.constant 128 : i32
    %scan3A_34 = arith.addi %scan3A_32, %scan3A_33 : i32
    %scan3A_35 = arith.constant 1 : i32
    scf.for %scan3A_54 = %scan3A_32 to %scan3A_34 step %scan3A_35  : i32 {
      %swap3A = arith.index_cast %scan3A_54 : i32 to index
      %swap3A_55 = arith.constant 0 : index
      %swap3A_56 = tpu.vector_load %arg11[%swap3A, %swap3A_55] {strides = array<i32>} : memref<128x512xf32, #tpu.memory_space<vmem>>, vector<16xf32>,
      tpu.vector_store %arg11[%swap3A, %swap3A_55], %broadcast_in_dim3A_31 {strides = array<i32>} : memref<128x512xf32, #tpu.memory_space<vmem>>, vector<16xf32>,
      %swap3A_57 = arith.index_cast %scan3A_54 : i32 to index
      %swap3A_58 = arith.constant 16 : index
      %swap3A_59 = tpu.vector_load %arg11[%swap3A_57, %swap3A_58] {strides = array<i32>} : memref<128x512xf32, #tpu.memory_space<vmem>>, vector<16xf32>,
      tpu.vector_store %arg11[%swap3A_57, %swap3A_58], %broadcast_in_dim3A_31 {strides = array<i32>} : memref<128x512xf32, #tpu.memory_space<vmem>>, vector<16xf32>,
      %swap3A_60 = arith.index_cast %scan3A_54 : i32 to index
      %swap3A_61 = arith.constant 32 : index
      %swap3A_62 = tpu.vector_load %arg11[%swap3A_60, %swap3A_61] {strides = array<i32>} : memref<128x512xf32, #tpu.memory_space<vmem>>, vector<16xf32>,
      tpu.vector_store %arg11[%swap3A_60, %swap3A_61], %broadcast_in_dim3A_31 {strides = array<i32>} : memref<128x512xf32, #tpu.memory_space<vmem>>, vector<16xf32>,
      %swap3A_63 = arith.index_cast %scan3A_54 : i32 to index
      %swap3A_64 = arith.constant 48 : index
      %swap3A_65 = tpu.vector_load %arg11[%swap3A_63, %swap3A_64] {strides = array<i32>} : memref<128x512xf32, #tpu.memory_space<vmem>>, vector<16xf32>,
      tpu.vector_store %arg11[%swap3A_63, %swap3A_64], %broadcast_in_dim3A_31 {strides = array<i32>} : memref<128x512xf32, #tpu.memory_space<vmem>>, vector<16xf32>,
      %swap3A_66 = arith.index_cast %scan3A_54 : i32 to index
      %swap3A_67 = arith.constant 64 : index
      %swap3A_68 = tpu.vector_load %arg11[%swap3A_66, %swap3A_67] {strides = array<i32>} : memref<128x512xf32, #tpu.memory_space<vmem>>, vector<16xf32>,
      tpu.vector_store %arg11[%swap3A_66, %swap3A_67], %broadcast_in_dim3A_31 {strides = array<i32>} : memref<128x512xf32, #tpu.memory_space<vmem>>, vector<16xf32>,
      %swap3A_69 = arith.index_cast %scan3A_54 : i32 to index
      %swap3A_70 = arith.constant 80 : index
      %swap3A_71 = tpu.vector_load %arg11[%swap3A_69, %swap3A_70] {strides = array<i32>} : memref<128x512xf32, #tpu.memory_space<vmem>>, vector<16xf32>,
      tpu.vector_store %arg11[%swap3A_69, %swap3A_70], %broadcast_in_dim3A_31 {strides = array<i32>} : memref<128x512xf32, #tpu.memory_space<vmem>>, vector<16xf32>,
      %swap3A_72 = arith.index_cast %scan3A_54 : i32 to index
      %swap3A_73 = arith.constant 96 : index
      %swap3A_74 = tpu.vector_load %arg11[%swap3A_72, %swap3A_73] {strides = array<i32>} : memref<128x512xf32, #tpu.memory_space<vmem>>, vector<16xf32>,
      tpu.vector_store %arg11[%swap3A_72, %swap3A_73], %broadcast_in_dim3A_31 {strides = array<i32>} : memref<128x512xf32, #tpu.memory_space<vmem>>, vector<16xf32>,
      %swap3A_75 = arith.index_cast %scan3A_54 : i32 to index
      %swap3A_76 = arith.constant 112 : index
      %swap3A_77 = tpu.vector_load %arg11[%swap3A_75, %swap3A_76] {strides = array<i32>} : memref<128x512xf32, #tpu.memory_space<vmem>>, vector<16xf32>,
      tpu.vector_store %arg11[%swap3A_75, %swap3A_76], %broadcast_in_dim3A_31 {strides = array<i32>} : memref<128x512xf32, #tpu.memory_space<vmem>>, vector<16xf32>,
      %swap3A_78 = arith.index_cast %scan3A_54 : i32 to index
      %swap3A_79 = arith.constant 128 : index
      %swap3A_80 = tpu.vector_load %arg11[%swap3A_78, %swap3A_79] {strides = array<i32>} : memref<128x512xf32, #tpu.memory_space<vmem>>, vector<16xf32>,
      tpu.vector_store %arg11[%swap3A_78, %swap3A_79], %broadcast_in_dim3A_31 {strides = array<i32>} : memref<128x512xf32, #tpu.memory_space<vmem>>, vector<16xf32>,
      %swap3A_81 = arith.index_cast %scan3A_54 : i32 to index
      %swap3A_82 = arith.constant 144 : index
      %swap3A_83 = tpu.vector_load %arg11[%swap3A_81, %swap3A_82] {strides = array<i32>} : memref<128x512xf32, #tpu.memory_space<vmem>>, vector<16xf32>,
      tpu.vector_store %arg11[%swap3A_81, %swap3A_82], %broadcast_in_dim3A_31 {strides = array<i32>} : memref<128x512xf32, #tpu.memory_space<vmem>>, vector<16xf32>,
      %swap3A_84 = arith.index_cast %scan3A_54 : i32 to index
      %swap3A_85 = arith.constant 160 : index
      %swap3A_86 = tpu.vector_load %arg11[%swap3A_84, %swap3A_85] {strides = array<i32>} : memref<128x512xf32, #tpu.memory_space<vmem>>, vector<16xf32>,
      tpu.vector_store %arg11[%swap3A_84, %swap3A_85], %broadcast_in_dim3A_31 {strides = array<i32>} : memref<128x512xf32, #tpu.memory_space<vmem>>, vector<16xf32>,
      %swap3A_87 = arith.index_cast %scan3A_54 : i32 to index
      %swap3A_88 = arith.constant 176 : index
      %swap3A_89 = tpu.vector_load %arg11[%swap3A_87, %swap3A_88] {strides = array<i32>} : memref<128x512xf32, #tpu.memory_space<vmem>>, vector<16xf32>,
      tpu.vector_store %arg11[%swap3A_87, %swap3A_88], %broadcast_in_dim3A_31 {strides = array<i32>} : memref<128x512xf32, #tpu.memory_space<vmem>>, vector<16xf32>,
      %swap3A_90 = arith.index_cast %scan3A_54 : i32 to index
      %swap3A_91 = arith.constant 192 : index
      %swap3A_92 = tpu.vector_load %arg11[%swap3A_90, %swap3A_91] {strides = array<i32>} : memref<128x512xf32, #tpu.memory_space<vmem>>, vector<16xf32>,
      tpu.vector_store %arg11[%swap3A_90, %swap3A_91], %broadcast_in_dim3A_31 {strides = array<i32>} : memref<128x512xf32, #tpu.memory_space<vmem>>, vector<16xf32>,
      %swap3A_93 = arith.index_cast %scan3A_54 : i32 to index
      %swap3A_94 = arith.constant 208 : index
      %swap3A_95 = tpu.vector_load %arg11[%swap3A_93, %swap3A_94] {strides = array<i32>} : memref<128x512xf32, #tpu.memory_space<vmem>>, vector<16xf32>,
      tpu.vector_store %arg11[%swap3A_93, %swap3A_94], %broadcast_in_dim3A_31 {strides = array<i32>} : memref<128x512xf32, #tpu.memory_space<vmem>>, vector<16xf32>,
      %swap3A_96 = arith.index_cast %scan3A_54 : i32 to index
      %swap3A_97 = arith.constant 224 : index
      %swap3A_98 = tpu.vector_load %arg11[%swap3A_96, %swap3A_97] {strides = array<i32>} : memref<128x512xf32, #tpu.memory_space<vmem>>, vector<16xf32>,
      tpu.vector_store %arg11[%swap3A_96, %swap3A_97], %broadcast_in_dim3A_31 {strides = array<i32>} : memref<128x512xf32, #tpu.memory_space<vmem>>, vector<16xf32>,
      %swap3A_99 = arith.index_cast %scan3A_54 : i32 to index
      %swap3A_100 = arith.constant 240 : index
      %swap3A_101 = tpu.vector_load %arg11[%swap3A_99, %swap3A_100] {strides = array<i32>} : memref<128x512xf32, #tpu.memory_space<vmem>>, vector<16xf32>,
      tpu.vector_store %arg11[%swap3A_99, %swap3A_100], %broadcast_in_dim3A_31 {strides = array<i32>} : memref<128x512xf32, #tpu.memory_space<vmem>>, vector<16xf32>,
      %swap3A_102 = arith.index_cast %scan3A_54 : i32 to index
      %swap3A_103 = arith.constant 256 : index
      %swap3A_104 = tpu.vector_load %arg11[%swap3A_102, %swap3A_103] {strides = array<i32>} : memref<128x512xf32, #tpu.memory_space<vmem>>, vector<16xf32>,
      tpu.vector_store %arg11[%swap3A_102, %swap3A_103], %broadcast_in_dim3A_31 {strides = array<i32>} : memref<128x512xf32, #tpu.memory_space<vmem>>, vector<16xf32>,
      %swap3A_105 = arith.index_cast %scan3A_54 : i32 to index
      %swap3A_106 = arith.constant 272 : index
      %swap3A_107 = tpu.vector_load %arg11[%swap3A_105, %swap3A_106] {strides = array<i32>} : memref<128x512xf32, #tpu.memory_space<vmem>>, vector<16xf32>,
      tpu.vector_store %arg11[%swap3A_105, %swap3A_106], %broadcast_in_dim3A_31 {strides = array<i32>} : memref<128x512xf32, #tpu.memory_space<vmem>>, vector<16xf32>,
      %swap3A_108 = arith.index_cast %scan3A_54 : i32 to index
      %swap3A_109 = arith.constant 288 : index
      %swap3A_110 = tpu.vector_load %arg11[%swap3A_108, %swap3A_109] {strides = array<i32>} : memref<128x512xf32, #tpu.memory_space<vmem>>, vector<16xf32>,
      tpu.vector_store %arg11[%swap3A_108, %swap3A_109], %broadcast_in_dim3A_31 {strides = array<i32>} : memref<128x512xf32, #tpu.memory_space<vmem>>, vector<16xf32>,
      %swap3A_111 = arith.index_cast %scan3A_54 : i32 to index
      %swap3A_112 = arith.constant 304 : index
      %swap3A_113 = tpu.vector_load %arg11[%swap3A_111, %swap3A_112] {strides = array<i32>} : memref<128x512xf32, #tpu.memory_space<vmem>>, vector<16xf32>,
      tpu.vector_store %arg11[%swap3A_111, %swap3A_112], %broadcast_in_dim3A_31 {strides = array<i32>} : memref<128x512xf32, #tpu.memory_space<vmem>>, vector<16xf32>,
      %swap3A_114 = arith.index_cast %scan3A_54 : i32 to index
      %swap3A_115 = arith.constant 320 : index
      %swap3A_116 = tpu.vector_load %arg11[%swap3A_114, %swap3A_115] {strides = array<i32>} : memref<128x512xf32, #tpu.memory_space<vmem>>, vector<16xf32>,
      tpu.vector_store %arg11[%swap3A_114, %swap3A_115], %broadcast_in_dim3A_31 {strides = array<i32>} : memref<128x512xf32, #tpu.memory_space<vmem>>, vector<16xf32>,
      %swap3A_117 = arith.index_cast %scan3A_54 : i32 to index
      %swap3A_118 = arith.constant 336 : index
      %swap3A_119 = tpu.vector_load %arg11[%swap3A_117, %swap3A_118] {strides = array<i32>} : memref<128x512xf32, #tpu.memory_space<vmem>>, vector<16xf32>,
      tpu.vector_store %arg11[%swap3A_117, %swap3A_118], %broadcast_in_dim3A_31 {strides = array<i32>} : memref<128x512xf32, #tpu.memory_space<vmem>>, vector<16xf32>,
      %swap3A_120 = arith.index_cast %scan3A_54 : i32 to index
      %swap3A_121 = arith.constant 352 : index
      %swap3A_122 = tpu.vector_load %arg11[%swap3A_120, %swap3A_121] {strides = array<i32>} : memref<128x512xf32, #tpu.memory_space<vmem>>, vector<16xf32>,
      tpu.vector_store %arg11[%swap3A_120, %swap3A_121], %broadcast_in_dim3A_31 {strides = array<i32>} : memref<128x512xf32, #tpu.memory_space<vmem>>, vector<16xf32>,
      %swap3A_123 = arith.index_cast %scan3A_54 : i32 to index
      %swap3A_124 = arith.constant 368 : index
      %swap3A_125 = tpu.vector_load %arg11[%swap3A_123, %swap3A_124] {strides = array<i32>} : memref<128x512xf32, #tpu.memory_space<vmem>>, vector<16xf32>,
      tpu.vector_store %arg11[%swap3A_123, %swap3A_124], %broadcast_in_dim3A_31 {strides = array<i32>} : memref<128x512xf32, #tpu.memory_space<vmem>>, vector<16xf32>,
      %swap3A_126 = arith.index_cast %scan3A_54 : i32 to index
      %swap3A_127 = arith.constant 384 : index
      %swap3A_128 = tpu.vector_load %arg11[%swap3A_126, %swap3A_127] {strides = array<i32>} : memref<128x512xf32, #tpu.memory_space<vmem>>, vector<16xf32>,
      tpu.vector_store %arg11[%swap3A_126, %swap3A_127], %broadcast_in_dim3A_31 {strides = array<i32>} : memref<128x512xf32, #tpu.memory_space<vmem>>, vector<16xf32>,
      %swap3A_129 = arith.index_cast %scan3A_54 : i32 to index
      %swap3A_130 = arith.constant 400 : index
      %swap3A_131 = tpu.vector_load %arg11[%swap3A_129, %swap3A_130] {strides = array<i32>} : memref<128x512xf32, #tpu.memory_space<vmem>>, vector<16xf32>,
      tpu.vector_store %arg11[%swap3A_129, %swap3A_130], %broadcast_in_dim3A_31 {strides = array<i32>} : memref<128x512xf32, #tpu.memory_space<vmem>>, vector<16xf32>,
      %swap3A_132 = arith.index_cast %scan3A_54 : i32 to index
      %swap3A_133 = arith.constant 416 : index
      %swap3A_134 = tpu.vector_load %arg11[%swap3A_132, %swap3A_133] {strides = array<i32>} : memref<128x512xf32, #tpu.memory_space<vmem>>, vector<16xf32>,
      tpu.vector_store %arg11[%swap3A_132, %swap3A_133], %broadcast_in_dim3A_31 {strides = array<i32>} : memref<128x512xf32, #tpu.memory_space<vmem>>, vector<16xf32>,
      %swap3A_135 = arith.index_cast %scan3A_54 : i32 to index
      %swap3A_136 = arith.constant 432 : index
      %swap3A_137 = tpu.vector_load %arg11[%swap3A_135, %swap3A_136] {strides = array<i32>} : memref<128x512xf32, #tpu.memory_space<vmem>>, vector<16xf32>,
      tpu.vector_store %arg11[%swap3A_135, %swap3A_136], %broadcast_in_dim3A_31 {strides = array<i32>} : memref<128x512xf32, #tpu.memory_space<vmem>>, vector<16xf32>,
      %swap3A_138 = arith.index_cast %scan3A_54 : i32 to index
      %swap3A_139 = arith.constant 448 : index
      %swap3A_140 = tpu.vector_load %arg11[%swap3A_138, %swap3A_139] {strides = array<i32>} : memref<128x512xf32, #tpu.memory_space<vmem>>, vector<16xf32>,
      tpu.vector_store %arg11[%swap3A_138, %swap3A_139], %broadcast_in_dim3A_31 {strides = array<i32>} : memref<128x512xf32, #tpu.memory_space<vmem>>, vector<16xf32>,
      %swap3A_141 = arith.index_cast %scan3A_54 : i32 to index
      %swap3A_142 = arith.constant 464 : index
      %swap3A_143 = tpu.vector_load %arg11[%swap3A_141, %swap3A_142] {strides = array<i32>} : memref<128x512xf32, #tpu.memory_space<vmem>>, vector<16xf32>,
      tpu.vector_store %arg11[%swap3A_141, %swap3A_142], %broadcast_in_dim3A_31 {strides = array<i32>} : memref<128x512xf32, #tpu.memory_space<vmem>>, vector<16xf32>,
      %swap3A_144 = arith.index_cast %scan3A_54 : i32 to index
      %swap3A_145 = arith.constant 480 : index
      %swap3A_146 = tpu.vector_load %arg11[%swap3A_144, %swap3A_145] {strides = array<i32>} : memref<128x512xf32, #tpu.memory_space<vmem>>, vector<16xf32>,
      tpu.vector_store %arg11[%swap3A_144, %swap3A_145], %broadcast_in_dim3A_31 {strides = array<i32>} : memref<128x512xf32, #tpu.memory_space<vmem>>, vector<16xf32>,
      %swap3A_147 = arith.index_cast %scan3A_54 : i32 to index
      %swap3A_148 = arith.constant 496 : index
      %swap3A_149 = tpu.vector_load %arg11[%swap3A_147, %swap3A_148] {strides = array<i32>} : memref<128x512xf32, #tpu.memory_space<vmem>>, vector<16xf32>,
      tpu.vector_store %arg11[%swap3A_147, %swap3A_148], %broadcast_in_dim3A_31 {strides = array<i32>} : memref<128x512xf32, #tpu.memory_space<vmem>>, vector<16xf32>,
    }
    %scan3A_36 = arith.constant 128 : i32
    %broadcast_in_dim3A_37 = vector.broadcast %select_n3A : i32 to vector<16xi32>
    %mul3A_38 = arith.constant 128 : i32
    %mul3A_39 = arith.muli %select_n3A_30, %mul3A_38 : i32
    %scan3A_40 = arith.constant 0 : i32
    %scan3A_41 = arith.constant 0 : i32
    %scan3A_42 = arith.constant 256 : i32
    %scan3A_43 = arith.addi %scan3A_41, %scan3A_42 : i32
    %scan3A_44 = arith.constant 1 : i32
    scf.for %scan3A_54 = %scan3A_41 to %scan3A_43 step %scan3A_44  : i32 {
      %mul3A_55 = arith.constant 4 : i32
      %mul3A_56 = arith.muli %scan3A_54, %mul3A_55 : i32
      %add3A_57 = arith.constant 0 : i32
      %add3A_58 = arith.addi %mul3A_56, %add3A_57 : i32
      %mul3A_59 = arith.constant 16 : i32
      %mul3A_60 = arith.muli %add3A_58, %mul3A_59 : i32
      %get3A = arith.index_cast %mul3A_60 : i32 to index
      %get3A_61 = tpu.vector_load %arg7[%get3A] {strides = array<i32>} : memref<16384xi32, #tpu.memory_space<vmem>>, vector<16xi32>,
      %get3A_62 = arith.index_cast %mul3A_60 : i32 to index
      %get3A_63 = tpu.vector_load %arg8[%get3A_62] {strides = array<i32>} : memref<16384xi32, #tpu.memory_space<vmem>>, vector<16xi32>,
      %get3A_64 = arith.index_cast %mul3A_60 : i32 to index
      %get3A_65 = tpu.vector_load %arg9[%get3A_64] {strides = array<i32>} : memref<16384xf32, #tpu.memory_space<vmem>>, vector<16xf32>,
      %sub3A_66 = vector.broadcast %mul3A_39 : i32 to vector<16xi32>
      %sub3A_67 = arith.subi %get3A_63, %sub3A_66 : vector<16xi32>
      %ge3A = arith.constant 0 : i32
      %ge3A_68 = vector.broadcast %ge3A : i32 to vector<16xi32>
      %ge3A_69 = arith.cmpi sge, %sub3A_67, %ge3A_68 : vector<16xi32>
      %lt3A_70 = arith.constant 128 : i32
      %lt3A_71 = vector.broadcast %lt3A_70 : i32 to vector<16xi32>
      %lt3A_72 = arith.cmpi slt, %sub3A_67, %lt3A_71 : vector<16xi32>
      %and3A_73 = arith.andi %ge3A_69, %lt3A_72 : vector<16xi1>
      %jit3A_74 = arith.constant 0 : i32
      %broadcast_in_dim3A_75 = vector.broadcast %jit3A_74 : i32 to vector<16xi32>
      %select_n3A_76 = arith.select %and3A_73, %sub3A_67, %broadcast_in_dim3A_75 : vector<16xi1>, vector<16xi32>
      tpu.vector_store_idx %arg11[%select_n3A_76, %get3A_61], %get3A_65 masked %and3A_73 {add = true} : memref<128x512xf32, #tpu.memory_space<vmem>>[vector<16xi32>, vector<16xi32>], vector<16xf32>, vector<16xi1>
      %mul3A_77 = arith.constant 4 : i32
      %mul3A_78 = arith.muli %scan3A_54, %mul3A_77 : i32
      %add3A_79 = arith.constant 1 : i32
      %add3A_80 = arith.addi %mul3A_78, %add3A_79 : i32
      %mul3A_81 = arith.constant 16 : i32
      %mul3A_82 = arith.muli %add3A_80, %mul3A_81 : i32
      %get3A_83 = arith.index_cast %mul3A_82 : i32 to index
      %get3A_84 = tpu.vector_load %arg7[%get3A_83] {strides = array<i32>} : memref<16384xi32, #tpu.memory_space<vmem>>, vector<16xi32>,
      %get3A_85 = arith.index_cast %mul3A_82 : i32 to index
      %get3A_86 = tpu.vector_load %arg8[%get3A_85] {strides = array<i32>} : memref<16384xi32, #tpu.memory_space<vmem>>, vector<16xi32>,
      %get3A_87 = arith.index_cast %mul3A_82 : i32 to index
      %get3A_88 = tpu.vector_load %arg9[%get3A_87] {strides = array<i32>} : memref<16384xf32, #tpu.memory_space<vmem>>, vector<16xf32>,
      %sub3A_89 = vector.broadcast %mul3A_39 : i32 to vector<16xi32>
      %sub3A_90 = arith.subi %get3A_86, %sub3A_89 : vector<16xi32>
      %ge3A_91 = arith.constant 0 : i32
      %ge3A_92 = vector.broadcast %ge3A_91 : i32 to vector<16xi32>
      %ge3A_93 = arith.cmpi sge, %sub3A_90, %ge3A_92 : vector<16xi32>
      %lt3A_94 = arith.constant 128 : i32
      %lt3A_95 = vector.broadcast %lt3A_94 : i32 to vector<16xi32>
      %lt3A_96 = arith.cmpi slt, %sub3A_90, %lt3A_95 : vector<16xi32>
      %and3A_97 = arith.andi %ge3A_93, %lt3A_96 : vector<16xi1>
      %jit3A_98 = arith.constant 0 : i32
      %broadcast_in_dim3A_99 = vector.broadcast %jit3A_98 : i32 to vector<16xi32>
      %select_n3A_100 = arith.select %and3A_97, %sub3A_90, %broadcast_in_dim3A_99 : vector<16xi1>, vector<16xi32>
      tpu.vector_store_idx %arg11[%select_n3A_100, %get3A_84], %get3A_88 masked %and3A_97 {add = true} : memref<128x512xf32, #tpu.memory_space<vmem>>[vector<16xi32>, vector<16xi32>], vector<16xf32>, vector<16xi1>
      %mul3A_101 = arith.constant 4 : i32
      %mul3A_102 = arith.muli %scan3A_54, %mul3A_101 : i32
      %add3A_103 = arith.constant 2 : i32
      %add3A_104 = arith.addi %mul3A_102, %add3A_103 : i32
      %mul3A_105 = arith.constant 16 : i32
      %mul3A_106 = arith.muli %add3A_104, %mul3A_105 : i32
      %get3A_107 = arith.index_cast %mul3A_106 : i32 to index
      %get3A_108 = tpu.vector_load %arg7[%get3A_107] {strides = array<i32>} : memref<16384xi32, #tpu.memory_space<vmem>>, vector<16xi32>,
      %get3A_109 = arith.index_cast %mul3A_106 : i32 to index
      %get3A_110 = tpu.vector_load %arg8[%get3A_109] {strides = array<i32>} : memref<16384xi32, #tpu.memory_space<vmem>>, vector<16xi32>,
      %get3A_111 = arith.index_cast %mul3A_106 : i32 to index
      %get3A_112 = tpu.vector_load %arg9[%get3A_111] {strides = array<i32>} : memref<16384xf32, #tpu.memory_space<vmem>>, vector<16xf32>,
      %sub3A_113 = vector.broadcast %mul3A_39 : i32 to vector<16xi32>
      %sub3A_114 = arith.subi %get3A_110, %sub3A_113 : vector<16xi32>
      %ge3A_115 = arith.constant 0 : i32
      %ge3A_116 = vector.broadcast %ge3A_115 : i32 to vector<16xi32>
      %ge3A_117 = arith.cmpi sge, %sub3A_114, %ge3A_116 : vector<16xi32>
      %lt3A_118 = arith.constant 128 : i32
      %lt3A_119 = vector.broadcast %lt3A_118 : i32 to vector<16xi32>
      %lt3A_120 = arith.cmpi slt, %sub3A_114, %lt3A_119 : vector<16xi32>
      %and3A_121 = arith.andi %ge3A_117, %lt3A_120 : vector<16xi1>
      %jit3A_122 = arith.constant 0 : i32
      %broadcast_in_dim3A_123 = vector.broadcast %jit3A_122 : i32 to vector<16xi32>
      %select_n3A_124 = arith.select %and3A_121, %sub3A_114, %broadcast_in_dim3A_123 : vector<16xi1>, vector<16xi32>
      tpu.vector_store_idx %arg11[%select_n3A_124, %get3A_108], %get3A_112 masked %and3A_121 {add = true} : memref<128x512xf32, #tpu.memory_space<vmem>>[vector<16xi32>, vector<16xi32>], vector<16xf32>, vector<16xi1>
      %mul3A_125 = arith.constant 4 : i32
      %mul3A_126 = arith.muli %scan3A_54, %mul3A_125 : i32
      %add3A_127 = arith.constant 3 : i32
      %add3A_128 = arith.addi %mul3A_126, %add3A_127 : i32
      %mul3A_129 = arith.constant 16 : i32
      %mul3A_130 = arith.muli %add3A_128, %mul3A_129 : i32
      %get3A_131 = arith.index_cast %mul3A_130 : i32 to index
      %get3A_132 = tpu.vector_load %arg7[%get3A_131] {strides = array<i32>} : memref<16384xi32, #tpu.memory_space<vmem>>, vector<16xi32>,
      %get3A_133 = arith.index_cast %mul3A_130 : i32 to index
      %get3A_134 = tpu.vector_load %arg8[%get3A_133] {strides = array<i32>} : memref<16384xi32, #tpu.memory_space<vmem>>, vector<16xi32>,
      %get3A_135 = arith.index_cast %mul3A_130 : i32 to index
      %get3A_136 = tpu.vector_load %arg9[%get3A_135] {strides = array<i32>} : memref<16384xf32, #tpu.memory_space<vmem>>, vector<16xf32>,
      %sub3A_137 = vector.broadcast %mul3A_39 : i32 to vector<16xi32>
      %sub3A_138 = arith.subi %get3A_134, %sub3A_137 : vector<16xi32>
      %ge3A_139 = arith.constant 0 : i32
      %ge3A_140 = vector.broadcast %ge3A_139 : i32 to vector<16xi32>
      %ge3A_141 = arith.cmpi sge, %sub3A_138, %ge3A_140 : vector<16xi32>
      %lt3A_142 = arith.constant 128 : i32
      %lt3A_143 = vector.broadcast %lt3A_142 : i32 to vector<16xi32>
      %lt3A_144 = arith.cmpi slt, %sub3A_138, %lt3A_143 : vector<16xi32>
      %and3A_145 = arith.andi %ge3A_141, %lt3A_144 : vector<16xi1>
      %jit3A_146 = arith.constant 0 : i32
      %broadcast_in_dim3A_147 = vector.broadcast %jit3A_146 : i32 to vector<16xi32>
      %select_n3A_148 = arith.select %and3A_145, %sub3A_138, %broadcast_in_dim3A_147 : vector<16xi1>, vector<16xi32>
      tpu.vector_store_idx %arg11[%select_n3A_148, %get3A_132], %get3A_136 masked %and3A_145 {add = true} : memref<128x512xf32, #tpu.memory_space<vmem>>[vector<16xi32>, vector<16xi32>], vector<16xf32>, vector<16xi1>
    }
    %scan3A_45 = arith.constant 256 : i32
    %iota3A = tpu.iota {dimensions = array<i32: 0>} : vector<16xi32>
    %scan3A_46 = arith.constant 0 : i32
    %scan3A_47 = arith.constant 0 : i32
    %scan3A_48 = arith.constant 8 : i32
    %scan3A_49 = arith.addi %scan3A_47, %scan3A_48 : i32
    %scan3A_50 = arith.constant 1 : i32
    scf.for %scan3A_54 = %scan3A_47 to %scan3A_49 step %scan3A_50  : i32 {
      %mul3A_55 = arith.constant 16 : i32
      %mul3A_56 = arith.muli %scan3A_54, %mul3A_55 : i32
      %add3A_57 = vector.broadcast %mul3A_56 : i32 to vector<16xi32>
      %add3A_58 = arith.addi %add3A_57, %iota3A : vector<16xi32>
      %add3A_59 = vector.broadcast %mul3A_39 : i32 to vector<16xi32>
      %add3A_60 = arith.addi %add3A_58, %add3A_59 : vector<16xi32>
      %mul3A_61 = arith.constant 8 : i32
      %mul3A_62 = vector.broadcast %mul3A_61 : i32 to vector<16xi32>
      %mul3A_63 = arith.muli %add3A_60, %mul3A_62 : vector<16xi32>
      %add3A_64 = arith.addi %mul3A_63, %broadcast_in_dim3A_37 : vector<16xi32>
      %gather3A = tpu.vector_load_idx %arg10[%add3A_64] : memref<4096xf32, #tpu.memory_space<vmem>>[vector<16xi32>], vector<16xf32>,
      tpu.vector_store_idx %arg11[%add3A_58, %add3A_60], %gather3A {add = true} : memref<128x512xf32, #tpu.memory_space<vmem>>[vector<16xi32>, vector<16xi32>], vector<16xf32>,
    }
    %scan3A_51 = arith.constant 8 : i32
    %mul3A_52 = arith.constant 128 : i32
    %mul3A_53 = arith.muli %select_n3A_30, %mul3A_52 : i32
    "tpu.region"() ({
      %run_scoped3A = tpu.sem_alloc : memref<!tpu.dma_semaphore, #tpu.memory_space<semaphore_mem>>
      %dma_start3A = arith.constant 0 : i32
      %dma_start3A_54 = tpu.memref_slice %arg6[%select_n3A, %mul3A_53, %dma_start3A] : memref<8x512x512xf32, #tpu.memory_space<hbm>> -> memref<1x128x512xf32, #tpu.memory_space<hbm>>
      %dma_start3A_55 = tpu.memref_squeeze %dma_start3A_54 : memref<1x128x512xf32, #tpu.memory_space<hbm>> -> memref<128x512xf32, #tpu.memory_space<hbm>>
      %dma_start3A_56 = arith.constant 0 : i32
      %dma_start3A_57 = tpu.memref_slice %arg6[%select_n3A, %mul3A_53, %dma_start3A_56] : memref<8x512x512xf32, #tpu.memory_space<hbm>> -> memref<1x128x512xf32, #tpu.memory_space<hbm>>
      %dma_start3A_58 = tpu.memref_squeeze %dma_start3A_57 : memref<1x128x512xf32, #tpu.memory_space<hbm>> -> memref<128x512xf32, #tpu.memory_space<hbm>>
      tpu.enqueue_dma source(%arg11 : memref<128x512xf32, #tpu.memory_space<vmem>>) target(%dma_start3A_58 : memref<128x512xf32, #tpu.memory_space<hbm>>) target_semaphore(%run_scoped3A : memref<!tpu.dma_semaphore, #tpu.memory_space<semaphore_mem>>)
      %dma_wait3A = arith.constant 0 : i32
      %dma_wait3A_59 = tpu.memref_slice %arg6[%select_n3A, %mul3A_53, %dma_wait3A] : memref<8x512x512xf32, #tpu.memory_space<hbm>> -> memref<1x128x512xf32, #tpu.memory_space<hbm>>
      %dma_wait3A_60 = tpu.memref_squeeze %dma_wait3A_59 : memref<1x128x512xf32, #tpu.memory_space<hbm>> -> memref<128x512xf32, #tpu.memory_space<hbm>>
      %dma_wait3A_61 = arith.constant 0 : i32
      %dma_wait3A_62 = tpu.memref_slice %arg6[%select_n3A, %mul3A_53, %dma_wait3A_61] : memref<8x512x512xf32, #tpu.memory_space<hbm>> -> memref<1x128x512xf32, #tpu.memory_space<hbm>>
      %dma_wait3A_63 = tpu.memref_squeeze %dma_wait3A_62 : memref<1x128x512xf32, #tpu.memory_space<hbm>> -> memref<128x512xf32, #tpu.memory_space<hbm>>
      tpu.wait_dma2 semaphore(%run_scoped3A : memref<!tpu.dma_semaphore, #tpu.memory_space<semaphore_mem>>) src(%arg11 : memref<128x512xf32, #tpu.memory_space<vmem>>) dst(%dma_wait3A_63 : memref<128x512xf32, #tpu.memory_space<hbm>>)
      tpu.yield
    }) : () -> ()
    return
  }
}

module attributes {stable_mosaic.version = 14 : i64} {
  func.func @_lin_body(%arg0: memref<2048x128xf32, #tpu.memory_space<vmem>>, %arg1: memref<128x64xf32, #tpu.memory_space<vmem>>, %arg2: memref<64x8xf32, #tpu.memory_space<vmem>>, %arg3: memref<64x8xf32, #tpu.memory_space<vmem>>, %arg4: memref<2048x64xf32, #tpu.memory_space<vmem>>, %arg5: memref<512x8xf32, #tpu.memory_space<vmem>>, %arg6: memref<512x8xf32, #tpu.memory_space<vmem>>, %arg7: memref<512x8xf32, #tpu.memory_space<vmem>>, %arg8: memref<1x16xf32, #tpu.memory_space<vmem>>) attributes {dimension_semantics = [], scalar_prefetch = 0 : i64, scratch_operands = 0 : i64, tpu.core_type = #tpu.core_type<tc>} {
    %get3A = arith.constant 0 : index
    %get3A_0 = arith.constant 0 : index
    %get3A_1 = vector.load %arg0[%get3A, %get3A_0] : memref<2048x128xf32, #tpu.memory_space<vmem>>, vector<2048x128xf32>
    %get3A_2 = arith.constant 0 : index
    %get3A_3 = arith.constant 0 : index
    %get3A_4 = vector.load %arg1[%get3A_2, %get3A_3] : memref<128x64xf32, #tpu.memory_space<vmem>>, vector<128x64xf32>
    %dot_general3A = arith.constant dense<0.000000e+00> : vector<2048x64xf32>
    %dot_general3A_5 = tpu.matmul %get3A_1, %get3A_4, %dot_general3A {dimension_numbers = #tpu.dot_dimension_numbers<[1], [0], [0], [1], [0, 0, 1, 1], [], []>, transpose_lhs_hint = false} : vector<2048x128xf32>, vector<128x64xf32>, vector<2048x64xf32> -> vector<2048x64xf32>
    %swap3A = arith.constant 0 : index
    %swap3A_6 = arith.constant 0 : index
    %swap3A_7 = vector.load %arg4[%swap3A, %swap3A_6] : memref<2048x64xf32, #tpu.memory_space<vmem>>, vector<2048x64xf32>
    tpu.vector_store %arg4[%swap3A, %swap3A_6], %dot_general3A_5 {strides = array<i32>} : memref<2048x64xf32, #tpu.memory_space<vmem>>, vector<2048x64xf32>,
    %slice3A = vector.extract_strided_slice %dot_general3A_5 {offsets = [0, 0], sizes = [512, 64], strides = [1, 1]} : vector<2048x64xf32> to vector<512x64xf32>
    %get3A_8 = arith.constant 0 : index
    %get3A_9 = arith.constant 0 : index
    %get3A_10 = vector.load %arg2[%get3A_8, %get3A_9] : memref<64x8xf32, #tpu.memory_space<vmem>>, vector<64x8xf32>
    %dot_general3A_11 = arith.constant dense<0.000000e+00> : vector<512x8xf32>
    %dot_general3A_12 = tpu.matmul %slice3A, %get3A_10, %dot_general3A_11 {dimension_numbers = #tpu.dot_dimension_numbers<[1], [0], [0], [1], [0, 0, 1, 1], [], []>, precision = #tpu.contract_precision<fp32>, transpose_lhs_hint = false} : vector<512x64xf32>, vector<64x8xf32>, vector<512x8xf32> -> vector<512x8xf32>
    %get3A_13 = arith.constant 0 : index
    %get3A_14 = arith.constant 0 : index
    %get3A_15 = vector.load %arg3[%get3A_13, %get3A_14] : memref<64x8xf32, #tpu.memory_space<vmem>>, vector<64x8xf32>
    %dot_general3A_16 = arith.constant dense<0.000000e+00> : vector<512x8xf32>
    %dot_general3A_17 = tpu.matmul %slice3A, %get3A_15, %dot_general3A_16 {dimension_numbers = #tpu.dot_dimension_numbers<[1], [0], [0], [1], [0, 0, 1, 1], [], []>, precision = #tpu.contract_precision<fp32>, transpose_lhs_hint = false} : vector<512x64xf32>, vector<64x8xf32>, vector<512x8xf32> -> vector<512x8xf32>
    %swap3A_18 = arith.constant 0 : index
    %swap3A_19 = arith.constant 0 : index
    %swap3A_20 = vector.load %arg5[%swap3A_18, %swap3A_19] : memref<512x8xf32, #tpu.memory_space<vmem>>, vector<512x8xf32>
    tpu.vector_store %arg5[%swap3A_18, %swap3A_19], %dot_general3A_12 {strides = array<i32>} : memref<512x8xf32, #tpu.memory_space<vmem>>, vector<512x8xf32>,
    %swap3A_21 = arith.constant 0 : index
    %swap3A_22 = arith.constant 0 : index
    %swap3A_23 = vector.load %arg6[%swap3A_21, %swap3A_22] : memref<512x8xf32, #tpu.memory_space<vmem>>, vector<512x8xf32>
    tpu.vector_store %arg6[%swap3A_21, %swap3A_22], %dot_general3A_17 {strides = array<i32>} : memref<512x8xf32, #tpu.memory_space<vmem>>, vector<512x8xf32>,
    %reduce_max3A = arith.constant dense<0xFF800000> : vector<8xf32>
    %reduce_max3A_24 = vector.multi_reduction <maximumf>, %dot_general3A_12, %reduce_max3A [0] : vector<512x8xf32> to vector<8xf32>
    %broadcast_in_dim3A = vector.shape_cast %reduce_max3A_24 : vector<8xf32> to vector<1x8xf32>
    %reduce_max3A_25 = arith.constant dense<0xFF800000> : vector<8xf32>
    %reduce_max3A_26 = vector.multi_reduction <maximumf>, %dot_general3A_17, %reduce_max3A_25 [0] : vector<512x8xf32> to vector<8xf32>
    %broadcast_in_dim3A_27 = vector.shape_cast %reduce_max3A_26 : vector<8xf32> to vector<1x8xf32>
    %add3A = arith.addf %broadcast_in_dim3A, %broadcast_in_dim3A_27 : vector<1x8xf32>
    %mul3A = arith.constant 2.000000e-01 : f32
    %mul3A_28 = vector.broadcast %mul3A : f32 to vector<1x8xf32>
    %mul3A_29 = arith.mulf %mul3A_28, %add3A : vector<1x8xf32>
    %max3A = arith.maximumf %add3A, %mul3A_29 : vector<1x8xf32>
    %broadcast_in_dim3A_30 = arith.constant 0.000000e+00 : f32
    %broadcast_in_dim3A_31 = vector.broadcast %broadcast_in_dim3A_30 : f32 to vector<1x8xf32>
    %concatenate3A = tpu.concatenate %max3A, %broadcast_in_dim3A_31 in 1 : vector<1x8xf32>, vector<1x8xf32> -> vector<1x16xf32>
    %swap3A_32 = arith.constant 0 : index
    %swap3A_33 = arith.constant 0 : index
    %swap3A_34 = vector.load %arg8[%swap3A_32, %swap3A_33] : memref<1x16xf32, #tpu.memory_space<vmem>>, vector<1x16xf32>
    tpu.vector_store %arg8[%swap3A_32, %swap3A_33], %concatenate3A {strides = array<i32>} : memref<1x16xf32, #tpu.memory_space<vmem>>, vector<1x16xf32>,
    %add3A_35 = arith.addf %dot_general3A_12, %dot_general3A_17 : vector<512x8xf32>
    %mul3A_36 = arith.constant 2.000000e-01 : f32
    %mul3A_37 = vector.broadcast %mul3A_36 : f32 to vector<512x8xf32>
    %mul3A_38 = arith.mulf %mul3A_37, %add3A_35 : vector<512x8xf32>
    %max3A_39 = arith.maximumf %add3A_35, %mul3A_38 : vector<512x8xf32>
    %sub3A = vector.broadcast %max3A : vector<1x8xf32> to vector<512x8xf32>
    %sub3A_40 = arith.subf %max3A_39, %sub3A : vector<512x8xf32>
    %exp3A = math.exp %sub3A_40 : vector<512x8xf32>
    %swap3A_41 = arith.constant 0 : index
    %swap3A_42 = arith.constant 0 : index
    %swap3A_43 = vector.load %arg7[%swap3A_41, %swap3A_42] : memref<512x8xf32, #tpu.memory_space<vmem>>, vector<512x8xf32>
    tpu.vector_store %arg7[%swap3A_41, %swap3A_42], %exp3A {strides = array<i32>} : memref<512x8xf32, #tpu.memory_space<vmem>>, vector<512x8xf32>,
    return
  }
}

module attributes {stable_mosaic.version = 14 : i64} {
  func.func @_edge_ex_body(%arg0: i32, %arg1: memref<2048x1xi32, #tpu.memory_space<vmem>>, %arg2: memref<2048x1xi32, #tpu.memory_space<vmem>>, %arg3: memref<512x8xf32, #tpu.memory_space<vmem>>, %arg4: memref<512x8xf32, #tpu.memory_space<vmem>>, %arg5: memref<1x16xf32, #tpu.memory_space<vmem>>, %arg6: memref<2048x8xf32, #tpu.memory_space<vmem>>) attributes {dimension_semantics = [#tpu.dimension_semantics<arbitrary>], iteration_bounds = array<i64: 8>, scalar_prefetch = 0 : i64, scratch_operands = 0 : i64, tpu.core_type = #tpu.core_type<tc>, window_params = [{transform_indices = @transform_0, window_bounds = array<i64: 2048, 1>}, {transform_indices = @transform_1, window_bounds = array<i64: 2048, 1>}, {pipeline_mode = #tpu.pipeline_mode<synchronous>, transform_indices = @transform_2, window_bounds = array<i64: 512, 8>}, {pipeline_mode = #tpu.pipeline_mode<synchronous>, transform_indices = @transform_3, window_bounds = array<i64: 512, 8>}, {pipeline_mode = #tpu.pipeline_mode<synchronous>, transform_indices = @transform_4, window_bounds = array<i64: 1, 16>}, {transform_indices = @transform_5, window_bounds = array<i64: 2048, 8>}]} {
    %get3A = arith.constant 0 : index
    %get3A_0 = arith.constant 0 : index
    %get3A_1 = vector.load %arg1[%get3A, %get3A_0] : memref<2048x1xi32, #tpu.memory_space<vmem>>, vector<2048x1xi32>
    %get3A_2 = arith.constant 0 : index
    %get3A_3 = arith.constant 0 : index
    %get3A_4 = vector.load %arg2[%get3A_2, %get3A_3] : memref<2048x1xi32, #tpu.memory_space<vmem>>, vector<2048x1xi32>
    %iota3A = tpu.iota {dimensions = array<i32: 1>} : vector<2048x512xi32>
    %eq3A = vector.broadcast %get3A_1 : vector<2048x1xi32> to vector<2048x512xi32>
    %eq3A_5 = arith.cmpi eq, %eq3A, %iota3A : vector<2048x512xi32>
    %convert_element_type3A = arith.extui %eq3A_5 : vector<2048x512xi1> to vector<2048x512xi32>
    %convert_element_type3A_6 = arith.sitofp %convert_element_type3A : vector<2048x512xi32> to vector<2048x512xf32>
    %eq3A_7 = vector.broadcast %get3A_4 : vector<2048x1xi32> to vector<2048x512xi32>
    %eq3A_8 = arith.cmpi eq, %eq3A_7, %iota3A : vector<2048x512xi32>
    %convert_element_type3A_9 = arith.extui %eq3A_8 : vector<2048x512xi1> to vector<2048x512xi32>
    %convert_element_type3A_10 = arith.sitofp %convert_element_type3A_9 : vector<2048x512xi32> to vector<2048x512xf32>
    %get3A_11 = arith.constant 0 : index
    %get3A_12 = arith.constant 0 : index
    %get3A_13 = vector.load %arg3[%get3A_11, %get3A_12] : memref<512x8xf32, #tpu.memory_space<vmem>>, vector<512x8xf32>
    %dot_general3A = arith.constant dense<0.000000e+00> : vector<2048x8xf32>
    %dot_general3A_14 = tpu.matmul %convert_element_type3A_6, %get3A_13, %dot_general3A {dimension_numbers = #tpu.dot_dimension_numbers<[1], [0], [0], [1], [0, 0, 1, 1], [], []>, precision = #tpu.contract_precision<fp32>, transpose_lhs_hint = false} : vector<2048x512xf32>, vector<512x8xf32>, vector<2048x8xf32> -> vector<2048x8xf32>
    %get3A_15 = arith.constant 0 : index
    %get3A_16 = arith.constant 0 : index
    %get3A_17 = vector.load %arg4[%get3A_15, %get3A_16] : memref<512x8xf32, #tpu.memory_space<vmem>>, vector<512x8xf32>
    %dot_general3A_18 = arith.constant dense<0.000000e+00> : vector<2048x8xf32>
    %dot_general3A_19 = tpu.matmul %convert_element_type3A_10, %get3A_17, %dot_general3A_18 {dimension_numbers = #tpu.dot_dimension_numbers<[1], [0], [0], [1], [0, 0, 1, 1], [], []>, precision = #tpu.contract_precision<fp32>, transpose_lhs_hint = false} : vector<2048x512xf32>, vector<512x8xf32>, vector<2048x8xf32> -> vector<2048x8xf32>
    %add3A = arith.addf %dot_general3A_14, %dot_general3A_19 : vector<2048x8xf32>
    %mul3A = arith.constant 2.000000e-01 : f32
    %mul3A_20 = vector.broadcast %mul3A : f32 to vector<2048x8xf32>
    %mul3A_21 = arith.mulf %mul3A_20, %add3A : vector<2048x8xf32>
    %max3A = arith.maximumf %add3A, %mul3A_21 : vector<2048x8xf32>
    %get3A_22 = arith.constant 0 : index
    %get3A_23 = arith.constant 0 : index
    %get3A_24 = vector.load %arg5[%get3A_22, %get3A_23] : memref<1x16xf32, #tpu.memory_space<vmem>>, vector<1x16xf32>
    %slice3A = vector.extract_strided_slice %get3A_24 {offsets = [0, 0], sizes = [1, 8], strides = [1, 1]} : vector<1x16xf32> to vector<1x8xf32>
    %sub3A = vector.broadcast %slice3A : vector<1x8xf32> to vector<2048x8xf32>
    %sub3A_25 = arith.subf %max3A, %sub3A : vector<2048x8xf32>
    %exp3A = math.exp %sub3A_25 : vector<2048x8xf32>
    %swap3A = arith.constant 0 : index
    %swap3A_26 = arith.constant 0 : index
    %swap3A_27 = vector.load %arg6[%swap3A, %swap3A_26] : memref<2048x8xf32, #tpu.memory_space<vmem>>, vector<2048x8xf32>
    tpu.vector_store %arg6[%swap3A, %swap3A_26], %exp3A {strides = array<i32>} : memref<2048x8xf32, #tpu.memory_space<vmem>>, vector<2048x8xf32>,
    return
  }
  func.func @transform_0(%arg0: i32) -> (i32, i32) {
    %c0_i32 = arith.constant 0 : i32
    %c0_i32_0 = arith.constant 0 : i32
    return %arg0, %c0_i32 : i32, i32
  }
  func.func @transform_1(%arg0: i32) -> (i32, i32) {
    %c0_i32 = arith.constant 0 : i32
    %c0_i32_0 = arith.constant 0 : i32
    return %arg0, %c0_i32 : i32, i32
  }
  func.func @transform_2(%arg0: i32) -> (i32, i32) {
    %c0_i32 = arith.constant 0 : i32
    %c0_i32_0 = arith.constant 0 : i32
    %c0_i32_1 = arith.constant 0 : i32
    return %c0_i32, %c0_i32_0 : i32, i32
  }
  func.func @transform_3(%arg0: i32) -> (i32, i32) {
    %c0_i32 = arith.constant 0 : i32
    %c0_i32_0 = arith.constant 0 : i32
    %c0_i32_1 = arith.constant 0 : i32
    return %c0_i32, %c0_i32_0 : i32, i32
  }
  func.func @transform_4(%arg0: i32) -> (i32, i32) {
    %c0_i32 = arith.constant 0 : i32
    %c0_i32_0 = arith.constant 0 : i32
    %c0_i32_1 = arith.constant 0 : i32
    return %c0_i32, %c0_i32_0 : i32, i32
  }
  func.func @transform_5(%arg0: i32) -> (i32, i32) {
    %c0_i32 = arith.constant 0 : i32
    %c0_i32_0 = arith.constant 0 : i32
    return %arg0, %c0_i32 : i32, i32
  }
}

module attributes {stable_mosaic.version = 14 : i64} {
  func.func @_agg1_body(%arg0: memref<8x512x512xf32, #tpu.memory_space<vmem>>, %arg1: memref<2048x64xf32, #tpu.memory_space<vmem>>, %arg2: memref<1x64xf32, #tpu.memory_space<vmem>>, %arg3: memref<2048x64xf32, #tpu.memory_space<vmem>>) attributes {dimension_semantics = [], scalar_prefetch = 0 : i64, scratch_operands = 0 : i64, tpu.core_type = #tpu.core_type<tc>} {
    %get3A = arith.constant 0 : index
    %get3A_0 = arith.constant 0 : index
    %get3A_1 = vector.load %arg1[%get3A, %get3A_0] : memref<2048x64xf32, #tpu.memory_space<vmem>>, vector<2048x64xf32>
    %get3A_2 = arith.constant 0 : index
    %get3A_3 = arith.constant 0 : index
    %get3A_4 = vector.load %arg2[%get3A_2, %get3A_3] : memref<1x64xf32, #tpu.memory_space<vmem>>, vector<1x64xf32>
    %get3A_5 = arith.constant 0 : index
    %get3A_6 = arith.constant 0 : index
    %get3A_7 = arith.constant 0 : index
    %get3A_8 = vector.load %arg0[%get3A_5, %get3A_6, %get3A_7] : memref<8x512x512xf32, #tpu.memory_space<vmem>>, vector<1x512x512xf32>
    %get3A_9 = vector.shape_cast %get3A_8 : vector<1x512x512xf32> to vector<512x512xf32>
    %slice3A = vector.extract_strided_slice %get3A_1 {offsets = [0, 0], sizes = [512, 8], strides = [1, 1]} : vector<2048x64xf32> to vector<512x8xf32>
    %reduce_sum3A = arith.constant dense<0.000000e+00> : vector<512xf32>
    %reduce_sum3A_10 = vector.multi_reduction <add>, %get3A_9, %reduce_sum3A [1] : vector<512x512xf32> to vector<512xf32>
    %broadcast_in_dim3A = vector.shape_cast %reduce_sum3A_10 : vector<512xf32> to vector<512x1xf32>
    %add3A = arith.constant 1.000000e-16 : f32
    %add3A_11 = vector.broadcast %add3A : f32 to vector<512x1xf32>
    %add3A_12 = arith.addf %broadcast_in_dim3A, %add3A_11 : vector<512x1xf32>
    %dot_general3A = arith.constant dense<0.000000e+00> : vector<512x8xf32>
    %dot_general3A_13 = tpu.matmul %get3A_9, %slice3A, %dot_general3A {dimension_numbers = #tpu.dot_dimension_numbers<[1], [0], [0], [1], [0, 0, 1, 1], [], []>, precision = #tpu.contract_precision<fp32>, transpose_lhs_hint = false} : vector<512x512xf32>, vector<512x8xf32>, vector<512x8xf32> -> vector<512x8xf32>
    %div3A = vector.broadcast %add3A_12 : vector<512x1xf32> to vector<512x8xf32>
    %div3A_14 = arith.divf %dot_general3A_13, %div3A : vector<512x8xf32>
    %slice3A_15 = vector.extract_strided_slice %get3A_4 {offsets = [0, 0], sizes = [1, 8], strides = [1, 1]} : vector<1x64xf32> to vector<1x8xf32>
    %add3A_16 = vector.broadcast %slice3A_15 : vector<1x8xf32> to vector<512x8xf32>
    %add3A_17 = arith.addf %div3A_14, %add3A_16 : vector<512x8xf32>
    %max3A = arith.constant 0.000000e+00 : f32
    %max3A_18 = vector.broadcast %max3A : f32 to vector<512x8xf32>
    %max3A_19 = arith.maximumf %add3A_17, %max3A_18 : vector<512x8xf32>
    %swap3A = arith.constant 0 : index
    %swap3A_20 = arith.constant 0 : index
    %swap3A_21 = vector.load %arg3[%swap3A, %swap3A_20] : memref<2048x64xf32, #tpu.memory_space<vmem>>, vector<512x8xf32>
    tpu.vector_store %arg3[%swap3A, %swap3A_20], %max3A_19 {strides = array<i32>} : memref<2048x64xf32, #tpu.memory_space<vmem>>, vector<512x8xf32>,
    %get3A_22 = arith.constant 1 : index
    %get3A_23 = arith.constant 0 : index
    %get3A_24 = arith.constant 0 : index
    %get3A_25 = vector.load %arg0[%get3A_22, %get3A_23, %get3A_24] : memref<8x512x512xf32, #tpu.memory_space<vmem>>, vector<1x512x512xf32>
    %get3A_26 = vector.shape_cast %get3A_25 : vector<1x512x512xf32> to vector<512x512xf32>
    %slice3A_27 = vector.extract_strided_slice %get3A_1 {offsets = [0, 8], sizes = [512, 8], strides = [1, 1]} : vector<2048x64xf32> to vector<512x8xf32>
    %reduce_sum3A_28 = arith.constant dense<0.000000e+00> : vector<512xf32>
    %reduce_sum3A_29 = vector.multi_reduction <add>, %get3A_26, %reduce_sum3A_28 [1] : vector<512x512xf32> to vector<512xf32>
    %broadcast_in_dim3A_30 = vector.shape_cast %reduce_sum3A_29 : vector<512xf32> to vector<512x1xf32>
    %add3A_31 = arith.constant 1.000000e-16 : f32
    %add3A_32 = vector.broadcast %add3A_31 : f32 to vector<512x1xf32>
    %add3A_33 = arith.addf %broadcast_in_dim3A_30, %add3A_32 : vector<512x1xf32>
    %dot_general3A_34 = arith.constant dense<0.000000e+00> : vector<512x8xf32>
    %dot_general3A_35 = tpu.matmul %get3A_26, %slice3A_27, %dot_general3A_34 {dimension_numbers = #tpu.dot_dimension_numbers<[1], [0], [0], [1], [0, 0, 1, 1], [], []>, precision = #tpu.contract_precision<fp32>, transpose_lhs_hint = false} : vector<512x512xf32>, vector<512x8xf32>, vector<512x8xf32> -> vector<512x8xf32>
    %div3A_36 = vector.broadcast %add3A_33 : vector<512x1xf32> to vector<512x8xf32>
    %div3A_37 = arith.divf %dot_general3A_35, %div3A_36 : vector<512x8xf32>
    %slice3A_38 = vector.extract_strided_slice %get3A_4 {offsets = [0, 8], sizes = [1, 8], strides = [1, 1]} : vector<1x64xf32> to vector<1x8xf32>
    %add3A_39 = vector.broadcast %slice3A_38 : vector<1x8xf32> to vector<512x8xf32>
    %add3A_40 = arith.addf %div3A_37, %add3A_39 : vector<512x8xf32>
    %max3A_41 = arith.constant 0.000000e+00 : f32
    %max3A_42 = vector.broadcast %max3A_41 : f32 to vector<512x8xf32>
    %max3A_43 = arith.maximumf %add3A_40, %max3A_42 : vector<512x8xf32>
    %swap3A_44 = arith.constant 0 : index
    %swap3A_45 = arith.constant 8 : index
    %swap3A_46 = vector.load %arg3[%swap3A_44, %swap3A_45] : memref<2048x64xf32, #tpu.memory_space<vmem>>, vector<512x8xf32>
    tpu.vector_store %arg3[%swap3A_44, %swap3A_45], %max3A_43 {strides = array<i32>} : memref<2048x64xf32, #tpu.memory_space<vmem>>, vector<512x8xf32>,
    %get3A_47 = arith.constant 2 : index
    %get3A_48 = arith.constant 0 : index
    %get3A_49 = arith.constant 0 : index
    %get3A_50 = vector.load %arg0[%get3A_47, %get3A_48, %get3A_49] : memref<8x512x512xf32, #tpu.memory_space<vmem>>, vector<1x512x512xf32>
    %get3A_51 = vector.shape_cast %get3A_50 : vector<1x512x512xf32> to vector<512x512xf32>
    %slice3A_52 = vector.extract_strided_slice %get3A_1 {offsets = [0, 16], sizes = [512, 8], strides = [1, 1]} : vector<2048x64xf32> to vector<512x8xf32>
    %reduce_sum3A_53 = arith.constant dense<0.000000e+00> : vector<512xf32>
    %reduce_sum3A_54 = vector.multi_reduction <add>, %get3A_51, %reduce_sum3A_53 [1] : vector<512x512xf32> to vector<512xf32>
    %broadcast_in_dim3A_55 = vector.shape_cast %reduce_sum3A_54 : vector<512xf32> to vector<512x1xf32>
    %add3A_56 = arith.constant 1.000000e-16 : f32
    %add3A_57 = vector.broadcast %add3A_56 : f32 to vector<512x1xf32>
    %add3A_58 = arith.addf %broadcast_in_dim3A_55, %add3A_57 : vector<512x1xf32>
    %dot_general3A_59 = arith.constant dense<0.000000e+00> : vector<512x8xf32>
    %dot_general3A_60 = tpu.matmul %get3A_51, %slice3A_52, %dot_general3A_59 {dimension_numbers = #tpu.dot_dimension_numbers<[1], [0], [0], [1], [0, 0, 1, 1], [], []>, precision = #tpu.contract_precision<fp32>, transpose_lhs_hint = false} : vector<512x512xf32>, vector<512x8xf32>, vector<512x8xf32> -> vector<512x8xf32>
    %div3A_61 = vector.broadcast %add3A_58 : vector<512x1xf32> to vector<512x8xf32>
    %div3A_62 = arith.divf %dot_general3A_60, %div3A_61 : vector<512x8xf32>
    %slice3A_63 = vector.extract_strided_slice %get3A_4 {offsets = [0, 16], sizes = [1, 8], strides = [1, 1]} : vector<1x64xf32> to vector<1x8xf32>
    %add3A_64 = vector.broadcast %slice3A_63 : vector<1x8xf32> to vector<512x8xf32>
    %add3A_65 = arith.addf %div3A_62, %add3A_64 : vector<512x8xf32>
    %max3A_66 = arith.constant 0.000000e+00 : f32
    %max3A_67 = vector.broadcast %max3A_66 : f32 to vector<512x8xf32>
    %max3A_68 = arith.maximumf %add3A_65, %max3A_67 : vector<512x8xf32>
    %swap3A_69 = arith.constant 0 : index
    %swap3A_70 = arith.constant 16 : index
    %swap3A_71 = vector.load %arg3[%swap3A_69, %swap3A_70] : memref<2048x64xf32, #tpu.memory_space<vmem>>, vector<512x8xf32>
    tpu.vector_store %arg3[%swap3A_69, %swap3A_70], %max3A_68 {strides = array<i32>} : memref<2048x64xf32, #tpu.memory_space<vmem>>, vector<512x8xf32>,
    %get3A_72 = arith.constant 3 : index
    %get3A_73 = arith.constant 0 : index
    %get3A_74 = arith.constant 0 : index
    %get3A_75 = vector.load %arg0[%get3A_72, %get3A_73, %get3A_74] : memref<8x512x512xf32, #tpu.memory_space<vmem>>, vector<1x512x512xf32>
    %get3A_76 = vector.shape_cast %get3A_75 : vector<1x512x512xf32> to vector<512x512xf32>
    %slice3A_77 = vector.extract_strided_slice %get3A_1 {offsets = [0, 24], sizes = [512, 8], strides = [1, 1]} : vector<2048x64xf32> to vector<512x8xf32>
    %reduce_sum3A_78 = arith.constant dense<0.000000e+00> : vector<512xf32>
    %reduce_sum3A_79 = vector.multi_reduction <add>, %get3A_76, %reduce_sum3A_78 [1] : vector<512x512xf32> to vector<512xf32>
    %broadcast_in_dim3A_80 = vector.shape_cast %reduce_sum3A_79 : vector<512xf32> to vector<512x1xf32>
    %add3A_81 = arith.constant 1.000000e-16 : f32
    %add3A_82 = vector.broadcast %add3A_81 : f32 to vector<512x1xf32>
    %add3A_83 = arith.addf %broadcast_in_dim3A_80, %add3A_82 : vector<512x1xf32>
    %dot_general3A_84 = arith.constant dense<0.000000e+00> : vector<512x8xf32>
    %dot_general3A_85 = tpu.matmul %get3A_76, %slice3A_77, %dot_general3A_84 {dimension_numbers = #tpu.dot_dimension_numbers<[1], [0], [0], [1], [0, 0, 1, 1], [], []>, precision = #tpu.contract_precision<fp32>, transpose_lhs_hint = false} : vector<512x512xf32>, vector<512x8xf32>, vector<512x8xf32> -> vector<512x8xf32>
    %div3A_86 = vector.broadcast %add3A_83 : vector<512x1xf32> to vector<512x8xf32>
    %div3A_87 = arith.divf %dot_general3A_85, %div3A_86 : vector<512x8xf32>
    %slice3A_88 = vector.extract_strided_slice %get3A_4 {offsets = [0, 24], sizes = [1, 8], strides = [1, 1]} : vector<1x64xf32> to vector<1x8xf32>
    %add3A_89 = vector.broadcast %slice3A_88 : vector<1x8xf32> to vector<512x8xf32>
    %add3A_90 = arith.addf %div3A_87, %add3A_89 : vector<512x8xf32>
    %max3A_91 = arith.constant 0.000000e+00 : f32
    %max3A_92 = vector.broadcast %max3A_91 : f32 to vector<512x8xf32>
    %max3A_93 = arith.maximumf %add3A_90, %max3A_92 : vector<512x8xf32>
    %swap3A_94 = arith.constant 0 : index
    %swap3A_95 = arith.constant 24 : index
    %swap3A_96 = vector.load %arg3[%swap3A_94, %swap3A_95] : memref<2048x64xf32, #tpu.memory_space<vmem>>, vector<512x8xf32>
    tpu.vector_store %arg3[%swap3A_94, %swap3A_95], %max3A_93 {strides = array<i32>} : memref<2048x64xf32, #tpu.memory_space<vmem>>, vector<512x8xf32>,
    %get3A_97 = arith.constant 4 : index
    %get3A_98 = arith.constant 0 : index
    %get3A_99 = arith.constant 0 : index
    %get3A_100 = vector.load %arg0[%get3A_97, %get3A_98, %get3A_99] : memref<8x512x512xf32, #tpu.memory_space<vmem>>, vector<1x512x512xf32>
    %get3A_101 = vector.shape_cast %get3A_100 : vector<1x512x512xf32> to vector<512x512xf32>
    %slice3A_102 = vector.extract_strided_slice %get3A_1 {offsets = [0, 32], sizes = [512, 8], strides = [1, 1]} : vector<2048x64xf32> to vector<512x8xf32>
    %reduce_sum3A_103 = arith.constant dense<0.000000e+00> : vector<512xf32>
    %reduce_sum3A_104 = vector.multi_reduction <add>, %get3A_101, %reduce_sum3A_103 [1] : vector<512x512xf32> to vector<512xf32>
    %broadcast_in_dim3A_105 = vector.shape_cast %reduce_sum3A_104 : vector<512xf32> to vector<512x1xf32>
    %add3A_106 = arith.constant 1.000000e-16 : f32
    %add3A_107 = vector.broadcast %add3A_106 : f32 to vector<512x1xf32>
    %add3A_108 = arith.addf %broadcast_in_dim3A_105, %add3A_107 : vector<512x1xf32>
    %dot_general3A_109 = arith.constant dense<0.000000e+00> : vector<512x8xf32>
    %dot_general3A_110 = tpu.matmul %get3A_101, %slice3A_102, %dot_general3A_109 {dimension_numbers = #tpu.dot_dimension_numbers<[1], [0], [0], [1], [0, 0, 1, 1], [], []>, precision = #tpu.contract_precision<fp32>, transpose_lhs_hint = false} : vector<512x512xf32>, vector<512x8xf32>, vector<512x8xf32> -> vector<512x8xf32>
    %div3A_111 = vector.broadcast %add3A_108 : vector<512x1xf32> to vector<512x8xf32>
    %div3A_112 = arith.divf %dot_general3A_110, %div3A_111 : vector<512x8xf32>
    %slice3A_113 = vector.extract_strided_slice %get3A_4 {offsets = [0, 32], sizes = [1, 8], strides = [1, 1]} : vector<1x64xf32> to vector<1x8xf32>
    %add3A_114 = vector.broadcast %slice3A_113 : vector<1x8xf32> to vector<512x8xf32>
    %add3A_115 = arith.addf %div3A_112, %add3A_114 : vector<512x8xf32>
    %max3A_116 = arith.constant 0.000000e+00 : f32
    %max3A_117 = vector.broadcast %max3A_116 : f32 to vector<512x8xf32>
    %max3A_118 = arith.maximumf %add3A_115, %max3A_117 : vector<512x8xf32>
    %swap3A_119 = arith.constant 0 : index
    %swap3A_120 = arith.constant 32 : index
    %swap3A_121 = vector.load %arg3[%swap3A_119, %swap3A_120] : memref<2048x64xf32, #tpu.memory_space<vmem>>, vector<512x8xf32>
    tpu.vector_store %arg3[%swap3A_119, %swap3A_120], %max3A_118 {strides = array<i32>} : memref<2048x64xf32, #tpu.memory_space<vmem>>, vector<512x8xf32>,
    %get3A_122 = arith.constant 5 : index
    %get3A_123 = arith.constant 0 : index
    %get3A_124 = arith.constant 0 : index
    %get3A_125 = vector.load %arg0[%get3A_122, %get3A_123, %get3A_124] : memref<8x512x512xf32, #tpu.memory_space<vmem>>, vector<1x512x512xf32>
    %get3A_126 = vector.shape_cast %get3A_125 : vector<1x512x512xf32> to vector<512x512xf32>
    %slice3A_127 = vector.extract_strided_slice %get3A_1 {offsets = [0, 40], sizes = [512, 8], strides = [1, 1]} : vector<2048x64xf32> to vector<512x8xf32>
    %reduce_sum3A_128 = arith.constant dense<0.000000e+00> : vector<512xf32>
    %reduce_sum3A_129 = vector.multi_reduction <add>, %get3A_126, %reduce_sum3A_128 [1] : vector<512x512xf32> to vector<512xf32>
    %broadcast_in_dim3A_130 = vector.shape_cast %reduce_sum3A_129 : vector<512xf32> to vector<512x1xf32>
    %add3A_131 = arith.constant 1.000000e-16 : f32
    %add3A_132 = vector.broadcast %add3A_131 : f32 to vector<512x1xf32>
    %add3A_133 = arith.addf %broadcast_in_dim3A_130, %add3A_132 : vector<512x1xf32>
    %dot_general3A_134 = arith.constant dense<0.000000e+00> : vector<512x8xf32>
    %dot_general3A_135 = tpu.matmul %get3A_126, %slice3A_127, %dot_general3A_134 {dimension_numbers = #tpu.dot_dimension_numbers<[1], [0], [0], [1], [0, 0, 1, 1], [], []>, precision = #tpu.contract_precision<fp32>, transpose_lhs_hint = false} : vector<512x512xf32>, vector<512x8xf32>, vector<512x8xf32> -> vector<512x8xf32>
    %div3A_136 = vector.broadcast %add3A_133 : vector<512x1xf32> to vector<512x8xf32>
    %div3A_137 = arith.divf %dot_general3A_135, %div3A_136 : vector<512x8xf32>
    %slice3A_138 = vector.extract_strided_slice %get3A_4 {offsets = [0, 40], sizes = [1, 8], strides = [1, 1]} : vector<1x64xf32> to vector<1x8xf32>
    %add3A_139 = vector.broadcast %slice3A_138 : vector<1x8xf32> to vector<512x8xf32>
    %add3A_140 = arith.addf %div3A_137, %add3A_139 : vector<512x8xf32>
    %max3A_141 = arith.constant 0.000000e+00 : f32
    %max3A_142 = vector.broadcast %max3A_141 : f32 to vector<512x8xf32>
    %max3A_143 = arith.maximumf %add3A_140, %max3A_142 : vector<512x8xf32>
    %swap3A_144 = arith.constant 0 : index
    %swap3A_145 = arith.constant 40 : index
    %swap3A_146 = vector.load %arg3[%swap3A_144, %swap3A_145] : memref<2048x64xf32, #tpu.memory_space<vmem>>, vector<512x8xf32>
    tpu.vector_store %arg3[%swap3A_144, %swap3A_145], %max3A_143 {strides = array<i32>} : memref<2048x64xf32, #tpu.memory_space<vmem>>, vector<512x8xf32>,
    %get3A_147 = arith.constant 6 : index
    %get3A_148 = arith.constant 0 : index
    %get3A_149 = arith.constant 0 : index
    %get3A_150 = vector.load %arg0[%get3A_147, %get3A_148, %get3A_149] : memref<8x512x512xf32, #tpu.memory_space<vmem>>, vector<1x512x512xf32>
    %get3A_151 = vector.shape_cast %get3A_150 : vector<1x512x512xf32> to vector<512x512xf32>
    %slice3A_152 = vector.extract_strided_slice %get3A_1 {offsets = [0, 48], sizes = [512, 8], strides = [1, 1]} : vector<2048x64xf32> to vector<512x8xf32>
    %reduce_sum3A_153 = arith.constant dense<0.000000e+00> : vector<512xf32>
    %reduce_sum3A_154 = vector.multi_reduction <add>, %get3A_151, %reduce_sum3A_153 [1] : vector<512x512xf32> to vector<512xf32>
    %broadcast_in_dim3A_155 = vector.shape_cast %reduce_sum3A_154 : vector<512xf32> to vector<512x1xf32>
    %add3A_156 = arith.constant 1.000000e-16 : f32
    %add3A_157 = vector.broadcast %add3A_156 : f32 to vector<512x1xf32>
    %add3A_158 = arith.addf %broadcast_in_dim3A_155, %add3A_157 : vector<512x1xf32>
    %dot_general3A_159 = arith.constant dense<0.000000e+00> : vector<512x8xf32>
    %dot_general3A_160 = tpu.matmul %get3A_151, %slice3A_152, %dot_general3A_159 {dimension_numbers = #tpu.dot_dimension_numbers<[1], [0], [0], [1], [0, 0, 1, 1], [], []>, precision = #tpu.contract_precision<fp32>, transpose_lhs_hint = false} : vector<512x512xf32>, vector<512x8xf32>, vector<512x8xf32> -> vector<512x8xf32>
    %div3A_161 = vector.broadcast %add3A_158 : vector<512x1xf32> to vector<512x8xf32>
    %div3A_162 = arith.divf %dot_general3A_160, %div3A_161 : vector<512x8xf32>
    %slice3A_163 = vector.extract_strided_slice %get3A_4 {offsets = [0, 48], sizes = [1, 8], strides = [1, 1]} : vector<1x64xf32> to vector<1x8xf32>
    %add3A_164 = vector.broadcast %slice3A_163 : vector<1x8xf32> to vector<512x8xf32>
    %add3A_165 = arith.addf %div3A_162, %add3A_164 : vector<512x8xf32>
    %max3A_166 = arith.constant 0.000000e+00 : f32
    %max3A_167 = vector.broadcast %max3A_166 : f32 to vector<512x8xf32>
    %max3A_168 = arith.maximumf %add3A_165, %max3A_167 : vector<512x8xf32>
    %swap3A_169 = arith.constant 0 : index
    %swap3A_170 = arith.constant 48 : index
    %swap3A_171 = vector.load %arg3[%swap3A_169, %swap3A_170] : memref<2048x64xf32, #tpu.memory_space<vmem>>, vector<512x8xf32>
    tpu.vector_store %arg3[%swap3A_169, %swap3A_170], %max3A_168 {strides = array<i32>} : memref<2048x64xf32, #tpu.memory_space<vmem>>, vector<512x8xf32>,
    %get3A_172 = arith.constant 7 : index
    %get3A_173 = arith.constant 0 : index
    %get3A_174 = arith.constant 0 : index
    %get3A_175 = vector.load %arg0[%get3A_172, %get3A_173, %get3A_174] : memref<8x512x512xf32, #tpu.memory_space<vmem>>, vector<1x512x512xf32>
    %get3A_176 = vector.shape_cast %get3A_175 : vector<1x512x512xf32> to vector<512x512xf32>
    %slice3A_177 = vector.extract_strided_slice %get3A_1 {offsets = [0, 56], sizes = [512, 8], strides = [1, 1]} : vector<2048x64xf32> to vector<512x8xf32>
    %reduce_sum3A_178 = arith.constant dense<0.000000e+00> : vector<512xf32>
    %reduce_sum3A_179 = vector.multi_reduction <add>, %get3A_176, %reduce_sum3A_178 [1] : vector<512x512xf32> to vector<512xf32>
    %broadcast_in_dim3A_180 = vector.shape_cast %reduce_sum3A_179 : vector<512xf32> to vector<512x1xf32>
    %add3A_181 = arith.constant 1.000000e-16 : f32
    %add3A_182 = vector.broadcast %add3A_181 : f32 to vector<512x1xf32>
    %add3A_183 = arith.addf %broadcast_in_dim3A_180, %add3A_182 : vector<512x1xf32>
    %dot_general3A_184 = arith.constant dense<0.000000e+00> : vector<512x8xf32>
    %dot_general3A_185 = tpu.matmul %get3A_176, %slice3A_177, %dot_general3A_184 {dimension_numbers = #tpu.dot_dimension_numbers<[1], [0], [0], [1], [0, 0, 1, 1], [], []>, precision = #tpu.contract_precision<fp32>, transpose_lhs_hint = false} : vector<512x512xf32>, vector<512x8xf32>, vector<512x8xf32> -> vector<512x8xf32>
    %div3A_186 = vector.broadcast %add3A_183 : vector<512x1xf32> to vector<512x8xf32>
    %div3A_187 = arith.divf %dot_general3A_185, %div3A_186 : vector<512x8xf32>
    %slice3A_188 = vector.extract_strided_slice %get3A_4 {offsets = [0, 56], sizes = [1, 8], strides = [1, 1]} : vector<1x64xf32> to vector<1x8xf32>
    %add3A_189 = vector.broadcast %slice3A_188 : vector<1x8xf32> to vector<512x8xf32>
    %add3A_190 = arith.addf %div3A_187, %add3A_189 : vector<512x8xf32>
    %max3A_191 = arith.constant 0.000000e+00 : f32
    %max3A_192 = vector.broadcast %max3A_191 : f32 to vector<512x8xf32>
    %max3A_193 = arith.maximumf %add3A_190, %max3A_192 : vector<512x8xf32>
    %swap3A_194 = arith.constant 0 : index
    %swap3A_195 = arith.constant 56 : index
    %swap3A_196 = vector.load %arg3[%swap3A_194, %swap3A_195] : memref<2048x64xf32, #tpu.memory_space<vmem>>, vector<512x8xf32>
    tpu.vector_store %arg3[%swap3A_194, %swap3A_195], %max3A_193 {strides = array<i32>} : memref<2048x64xf32, #tpu.memory_space<vmem>>, vector<512x8xf32>,
    %slice3A_197 = vector.extract_strided_slice %get3A_1 {offsets = [512, 0], sizes = [1536, 64], strides = [1, 1]} : vector<2048x64xf32> to vector<1536x64xf32>
    %add3A_198 = vector.broadcast %get3A_4 : vector<1x64xf32> to vector<1536x64xf32>
    %add3A_199 = arith.addf %slice3A_197, %add3A_198 : vector<1536x64xf32>
    %max3A_200 = arith.constant 0.000000e+00 : f32
    %max3A_201 = vector.broadcast %max3A_200 : f32 to vector<1536x64xf32>
    %max3A_202 = arith.maximumf %add3A_199, %max3A_201 : vector<1536x64xf32>
    %swap3A_203 = arith.constant 512 : index
    %swap3A_204 = arith.constant 0 : index
    %swap3A_205 = vector.load %arg3[%swap3A_203, %swap3A_204] : memref<2048x64xf32, #tpu.memory_space<vmem>>, vector<1536x64xf32>
    tpu.vector_store %arg3[%swap3A_203, %swap3A_204], %max3A_202 {strides = array<i32>} : memref<2048x64xf32, #tpu.memory_space<vmem>>, vector<1536x64xf32>,
    return
  }
}

module attributes {stable_mosaic.version = 14 : i64} {
  func.func @_lin_body(%arg0: memref<2048x64xf32, #tpu.memory_space<vmem>>, %arg1: memref<64x1024xf32, #tpu.memory_space<vmem>>, %arg2: memref<1024x8xf32, #tpu.memory_space<vmem>>, %arg3: memref<1024x8xf32, #tpu.memory_space<vmem>>, %arg4: memref<2048x1024xf32, #tpu.memory_space<vmem>>, %arg5: memref<512x8xf32, #tpu.memory_space<vmem>>, %arg6: memref<512x8xf32, #tpu.memory_space<vmem>>, %arg7: memref<512x8xf32, #tpu.memory_space<vmem>>, %arg8: memref<1x16xf32, #tpu.memory_space<vmem>>) attributes {dimension_semantics = [], scalar_prefetch = 0 : i64, scratch_operands = 0 : i64, tpu.core_type = #tpu.core_type<tc>} {
    %get3A = arith.constant 0 : index
    %get3A_0 = arith.constant 0 : index
    %get3A_1 = vector.load %arg0[%get3A, %get3A_0] : memref<2048x64xf32, #tpu.memory_space<vmem>>, vector<2048x64xf32>
    %get3A_2 = arith.constant 0 : index
    %get3A_3 = arith.constant 0 : index
    %get3A_4 = vector.load %arg1[%get3A_2, %get3A_3] : memref<64x1024xf32, #tpu.memory_space<vmem>>, vector<64x1024xf32>
    %dot_general3A = arith.constant dense<0.000000e+00> : vector<2048x1024xf32>
    %dot_general3A_5 = tpu.matmul %get3A_1, %get3A_4, %dot_general3A {dimension_numbers = #tpu.dot_dimension_numbers<[1], [0], [0], [1], [0, 0, 1, 1], [], []>, transpose_lhs_hint = false} : vector<2048x64xf32>, vector<64x1024xf32>, vector<2048x1024xf32> -> vector<2048x1024xf32>
    %swap3A = arith.constant 0 : index
    %swap3A_6 = arith.constant 0 : index
    %swap3A_7 = vector.load %arg4[%swap3A, %swap3A_6] : memref<2048x1024xf32, #tpu.memory_space<vmem>>, vector<2048x1024xf32>
    tpu.vector_store %arg4[%swap3A, %swap3A_6], %dot_general3A_5 {strides = array<i32>} : memref<2048x1024xf32, #tpu.memory_space<vmem>>, vector<2048x1024xf32>,
    %slice3A = vector.extract_strided_slice %dot_general3A_5 {offsets = [0, 0], sizes = [512, 1024], strides = [1, 1]} : vector<2048x1024xf32> to vector<512x1024xf32>
    %get3A_8 = arith.constant 0 : index
    %get3A_9 = arith.constant 0 : index
    %get3A_10 = vector.load %arg2[%get3A_8, %get3A_9] : memref<1024x8xf32, #tpu.memory_space<vmem>>, vector<1024x8xf32>
    %dot_general3A_11 = arith.constant dense<0.000000e+00> : vector<512x8xf32>
    %dot_general3A_12 = tpu.matmul %slice3A, %get3A_10, %dot_general3A_11 {dimension_numbers = #tpu.dot_dimension_numbers<[1], [0], [0], [1], [0, 0, 1, 1], [], []>, precision = #tpu.contract_precision<fp32>, transpose_lhs_hint = false} : vector<512x1024xf32>, vector<1024x8xf32>, vector<512x8xf32> -> vector<512x8xf32>
    %get3A_13 = arith.constant 0 : index
    %get3A_14 = arith.constant 0 : index
    %get3A_15 = vector.load %arg3[%get3A_13, %get3A_14] : memref<1024x8xf32, #tpu.memory_space<vmem>>, vector<1024x8xf32>
    %dot_general3A_16 = arith.constant dense<0.000000e+00> : vector<512x8xf32>
    %dot_general3A_17 = tpu.matmul %slice3A, %get3A_15, %dot_general3A_16 {dimension_numbers = #tpu.dot_dimension_numbers<[1], [0], [0], [1], [0, 0, 1, 1], [], []>, precision = #tpu.contract_precision<fp32>, transpose_lhs_hint = false} : vector<512x1024xf32>, vector<1024x8xf32>, vector<512x8xf32> -> vector<512x8xf32>
    %swap3A_18 = arith.constant 0 : index
    %swap3A_19 = arith.constant 0 : index
    %swap3A_20 = vector.load %arg5[%swap3A_18, %swap3A_19] : memref<512x8xf32, #tpu.memory_space<vmem>>, vector<512x8xf32>
    tpu.vector_store %arg5[%swap3A_18, %swap3A_19], %dot_general3A_12 {strides = array<i32>} : memref<512x8xf32, #tpu.memory_space<vmem>>, vector<512x8xf32>,
    %swap3A_21 = arith.constant 0 : index
    %swap3A_22 = arith.constant 0 : index
    %swap3A_23 = vector.load %arg6[%swap3A_21, %swap3A_22] : memref<512x8xf32, #tpu.memory_space<vmem>>, vector<512x8xf32>
    tpu.vector_store %arg6[%swap3A_21, %swap3A_22], %dot_general3A_17 {strides = array<i32>} : memref<512x8xf32, #tpu.memory_space<vmem>>, vector<512x8xf32>,
    %reduce_max3A = arith.constant dense<0xFF800000> : vector<8xf32>
    %reduce_max3A_24 = vector.multi_reduction <maximumf>, %dot_general3A_12, %reduce_max3A [0] : vector<512x8xf32> to vector<8xf32>
    %broadcast_in_dim3A = vector.shape_cast %reduce_max3A_24 : vector<8xf32> to vector<1x8xf32>
    %reduce_max3A_25 = arith.constant dense<0xFF800000> : vector<8xf32>
    %reduce_max3A_26 = vector.multi_reduction <maximumf>, %dot_general3A_17, %reduce_max3A_25 [0] : vector<512x8xf32> to vector<8xf32>
    %broadcast_in_dim3A_27 = vector.shape_cast %reduce_max3A_26 : vector<8xf32> to vector<1x8xf32>
    %add3A = arith.addf %broadcast_in_dim3A, %broadcast_in_dim3A_27 : vector<1x8xf32>
    %mul3A = arith.constant 2.000000e-01 : f32
    %mul3A_28 = vector.broadcast %mul3A : f32 to vector<1x8xf32>
    %mul3A_29 = arith.mulf %mul3A_28, %add3A : vector<1x8xf32>
    %max3A = arith.maximumf %add3A, %mul3A_29 : vector<1x8xf32>
    %broadcast_in_dim3A_30 = arith.constant 0.000000e+00 : f32
    %broadcast_in_dim3A_31 = vector.broadcast %broadcast_in_dim3A_30 : f32 to vector<1x8xf32>
    %concatenate3A = tpu.concatenate %max3A, %broadcast_in_dim3A_31 in 1 : vector<1x8xf32>, vector<1x8xf32> -> vector<1x16xf32>
    %swap3A_32 = arith.constant 0 : index
    %swap3A_33 = arith.constant 0 : index
    %swap3A_34 = vector.load %arg8[%swap3A_32, %swap3A_33] : memref<1x16xf32, #tpu.memory_space<vmem>>, vector<1x16xf32>
    tpu.vector_store %arg8[%swap3A_32, %swap3A_33], %concatenate3A {strides = array<i32>} : memref<1x16xf32, #tpu.memory_space<vmem>>, vector<1x16xf32>,
    %add3A_35 = arith.addf %dot_general3A_12, %dot_general3A_17 : vector<512x8xf32>
    %mul3A_36 = arith.constant 2.000000e-01 : f32
    %mul3A_37 = vector.broadcast %mul3A_36 : f32 to vector<512x8xf32>
    %mul3A_38 = arith.mulf %mul3A_37, %add3A_35 : vector<512x8xf32>
    %max3A_39 = arith.maximumf %add3A_35, %mul3A_38 : vector<512x8xf32>
    %sub3A = vector.broadcast %max3A : vector<1x8xf32> to vector<512x8xf32>
    %sub3A_40 = arith.subf %max3A_39, %sub3A : vector<512x8xf32>
    %exp3A = math.exp %sub3A_40 : vector<512x8xf32>
    %swap3A_41 = arith.constant 0 : index
    %swap3A_42 = arith.constant 0 : index
    %swap3A_43 = vector.load %arg7[%swap3A_41, %swap3A_42] : memref<512x8xf32, #tpu.memory_space<vmem>>, vector<512x8xf32>
    tpu.vector_store %arg7[%swap3A_41, %swap3A_42], %exp3A {strides = array<i32>} : memref<512x8xf32, #tpu.memory_space<vmem>>, vector<512x8xf32>,
    return
  }
}

module attributes {stable_mosaic.version = 14 : i64} {
  func.func @_agg2_body(%arg0: i32, %arg1: memref<1x512x512xf32, #tpu.memory_space<vmem>>, %arg2: memref<2048x128xf32, #tpu.memory_space<vmem>>, %arg3: memref<1x128xf32, #tpu.memory_space<vmem>>, %arg4: memref<2048x128xf32, #tpu.memory_space<vmem>>) attributes {dimension_semantics = [#tpu.dimension_semantics<arbitrary>], iteration_bounds = array<i64: 8>, scalar_prefetch = 0 : i64, scratch_operands = 0 : i64, tpu.core_type = #tpu.core_type<tc>, window_params = [{transform_indices = @transform_0, window_bounds = array<i64: 1, 512, 512>}, {transform_indices = @transform_1, window_bounds = array<i64: 2048, 128>}, {transform_indices = @transform_2, window_bounds = array<i64: 1, 128>}, {transform_indices = @transform_3, window_bounds = array<i64: 2048, 128>}]} {
    %get3A = arith.constant 0 : index
    %get3A_0 = arith.constant 0 : index
    %get3A_1 = vector.load %arg2[%get3A, %get3A_0] : memref<2048x128xf32, #tpu.memory_space<vmem>>, vector<2048x128xf32>
    %get3A_2 = arith.constant 0 : index
    %get3A_3 = arith.constant 0 : index
    %get3A_4 = vector.load %arg3[%get3A_2, %get3A_3] : memref<1x128xf32, #tpu.memory_space<vmem>>, vector<1x128xf32>
    %get3A_5 = arith.constant 0 : index
    %get3A_6 = arith.constant 0 : index
    %get3A_7 = arith.constant 0 : index
    %get3A_8 = vector.load %arg1[%get3A_5, %get3A_6, %get3A_7] : memref<1x512x512xf32, #tpu.memory_space<vmem>>, vector<1x512x512xf32>
    %get3A_9 = vector.shape_cast %get3A_8 : vector<1x512x512xf32> to vector<512x512xf32>
    %slice3A = vector.extract_strided_slice %get3A_1 {offsets = [0, 0], sizes = [512, 128], strides = [1, 1]} : vector<2048x128xf32> to vector<512x128xf32>
    %reduce_sum3A = arith.constant dense<0.000000e+00> : vector<512xf32>
    %reduce_sum3A_10 = vector.multi_reduction <add>, %get3A_9, %reduce_sum3A [1] : vector<512x512xf32> to vector<512xf32>
    %broadcast_in_dim3A = vector.shape_cast %reduce_sum3A_10 : vector<512xf32> to vector<512x1xf32>
    %add3A = arith.constant 1.000000e-16 : f32
    %add3A_11 = vector.broadcast %add3A : f32 to vector<512x1xf32>
    %add3A_12 = arith.addf %broadcast_in_dim3A, %add3A_11 : vector<512x1xf32>
    %dot_general3A = arith.constant dense<0.000000e+00> : vector<512x128xf32>
    %dot_general3A_13 = tpu.matmul %get3A_9, %slice3A, %dot_general3A {dimension_numbers = #tpu.dot_dimension_numbers<[1], [0], [0], [1], [0, 0, 1, 1], [], []>, precision = #tpu.contract_precision<fp32>, transpose_lhs_hint = false} : vector<512x512xf32>, vector<512x128xf32>, vector<512x128xf32> -> vector<512x128xf32>
    %div3A = vector.broadcast %add3A_12 : vector<512x1xf32> to vector<512x128xf32>
    %div3A_14 = arith.divf %dot_general3A_13, %div3A : vector<512x128xf32>
    %add3A_15 = vector.broadcast %get3A_4 : vector<1x128xf32> to vector<512x128xf32>
    %add3A_16 = arith.addf %div3A_14, %add3A_15 : vector<512x128xf32>
    %max3A = arith.constant 0.000000e+00 : f32
    %max3A_17 = vector.broadcast %max3A : f32 to vector<512x128xf32>
    %max3A_18 = arith.maximumf %add3A_16, %max3A_17 : vector<512x128xf32>
    %swap3A = arith.constant 0 : index
    %swap3A_19 = arith.constant 0 : index
    %swap3A_20 = vector.load %arg4[%swap3A, %swap3A_19] : memref<2048x128xf32, #tpu.memory_space<vmem>>, vector<512x128xf32>
    tpu.vector_store %arg4[%swap3A, %swap3A_19], %max3A_18 {strides = array<i32>} : memref<2048x128xf32, #tpu.memory_space<vmem>>, vector<512x128xf32>,
    %slice3A_21 = vector.extract_strided_slice %get3A_1 {offsets = [512, 0], sizes = [1536, 128], strides = [1, 1]} : vector<2048x128xf32> to vector<1536x128xf32>
    %add3A_22 = vector.broadcast %get3A_4 : vector<1x128xf32> to vector<1536x128xf32>
    %add3A_23 = arith.addf %slice3A_21, %add3A_22 : vector<1536x128xf32>
    %max3A_24 = arith.constant 0.000000e+00 : f32
    %max3A_25 = vector.broadcast %max3A_24 : f32 to vector<1536x128xf32>
    %max3A_26 = arith.maximumf %add3A_23, %max3A_25 : vector<1536x128xf32>
    %swap3A_27 = arith.constant 512 : index
    %swap3A_28 = arith.constant 0 : index
    %swap3A_29 = vector.load %arg4[%swap3A_27, %swap3A_28] : memref<2048x128xf32, #tpu.memory_space<vmem>>, vector<1536x128xf32>
    tpu.vector_store %arg4[%swap3A_27, %swap3A_28], %max3A_26 {strides = array<i32>} : memref<2048x128xf32, #tpu.memory_space<vmem>>, vector<1536x128xf32>,
    return
  }
  func.func @transform_0(%arg0: i32) -> (i32, i32, i32) {
    %c0_i32 = arith.constant 0 : i32
    %c0_i32_0 = arith.constant 0 : i32
    %c0_i32_1 = arith.constant 0 : i32
    return %arg0, %c0_i32, %c0_i32_0 : i32, i32, i32
  }
  func.func @transform_1(%arg0: i32) -> (i32, i32) {
    %c0_i32 = arith.constant 0 : i32
    %c0_i32_0 = arith.constant 0 : i32
    return %c0_i32, %arg0 : i32, i32
  }
  func.func @transform_2(%arg0: i32) -> (i32, i32) {
    %c0_i32 = arith.constant 0 : i32
    %c0_i32_0 = arith.constant 0 : i32
    return %c0_i32, %arg0 : i32, i32
  }
  func.func @transform_3(%arg0: i32) -> (i32, i32) {
    %c0_i32 = arith.constant 0 : i32
    %c0_i32_0 = arith.constant 0 : i32
    return %c0_i32, %arg0 : i32, i32
  }
}

module attributes {stable_mosaic.version = 14 : i64} {
  func.func @_head_body(%arg0: i32, %arg1: memref<4x16384xf32, #tpu.memory_space<vmem>>, %arg2: memref<18x16384xf32, #tpu.memory_space<vmem>>, %arg3: memref<64x16384xf32, #tpu.memory_space<vmem>>, %arg4: memref<1x18xf32, #tpu.memory_space<vmem>>, %arg5: memref<1x64xf32, #tpu.memory_space<vmem>>, %arg6: memref<64x64xf32, #tpu.memory_space<vmem>>, %arg7: memref<1x64xf32, #tpu.memory_space<vmem>>, %arg8: memref<64x1xf32, #tpu.memory_space<vmem>>, %arg9: memref<1x1xf32, #tpu.memory_space<vmem>>, %arg10: memref<4x18xf32, #tpu.memory_space<vmem>>, %arg11: memref<18x4xf32, #tpu.memory_space<vmem>>, %arg12: memref<64x4xf32, #tpu.memory_space<vmem>>) attributes {dimension_semantics = [#tpu.dimension_semantics<arbitrary>], iteration_bounds = array<i64: 32>, scalar_prefetch = 0 : i64, scratch_operands = 2 : i64, tpu.core_type = #tpu.core_type<tc>, window_params = [{transform_indices = @transform_0, window_bounds = array<i64: 4, 16384>}, {transform_indices = @transform_1, window_bounds = array<i64: 18, 16384>}, {transform_indices = @transform_2, window_bounds = array<i64: 64, 16384>}, {pipeline_mode = #tpu.pipeline_mode<synchronous>, transform_indices = @transform_3, window_bounds = array<i64: 1, 18>}, {pipeline_mode = #tpu.pipeline_mode<synchronous>, transform_indices = @transform_4, window_bounds = array<i64: 1, 64>}, {pipeline_mode = #tpu.pipeline_mode<synchronous>, transform_indices = @transform_5, window_bounds = array<i64: 64, 64>}, {pipeline_mode = #tpu.pipeline_mode<synchronous>, transform_indices = @transform_6, window_bounds = array<i64: 1, 64>}, {pipeline_mode = #tpu.pipeline_mode<synchronous>, transform_indices = @transform_7, window_bounds = array<i64: 64, 1>}, {pipeline_mode = #tpu.pipeline_mode<synchronous>, transform_indices = @transform_8, window_bounds = array<i64: 1, 1>}, {pipeline_mode = #tpu.pipeline_mode<synchronous>, transform_indices = @transform_9, window_bounds = array<i64: 4, 18>}]} {
    %eq3A = arith.constant 0 : i32
    %eq3A_0 = arith.cmpi eq, %arg0, %eq3A : i32
    %convert_element_type3A = arith.extui %eq3A_0 : i1 to i32
    %cond3A = arith.constant 0 : i32
    %cond3A_1 = arith.cmpi ne, %convert_element_type3A, %cond3A : i32
    scf.if %cond3A_1 {
      %broadcast_in_dim3A_109 = arith.constant 0.000000e+00 : f32
      %broadcast_in_dim3A_110 = vector.broadcast %broadcast_in_dim3A_109 : f32 to vector<18x4xf32>
      %swap3A_111 = arith.constant 0 : index
      %swap3A_112 = arith.constant 0 : index
      %swap3A_113 = vector.load %arg11[%swap3A_111, %swap3A_112] : memref<18x4xf32, #tpu.memory_space<vmem>>, vector<18x4xf32>
      tpu.vector_store %arg11[%swap3A_111, %swap3A_112], %broadcast_in_dim3A_110 {strides = array<i32>} : memref<18x4xf32, #tpu.memory_space<vmem>>, vector<18x4xf32>,
      %broadcast_in_dim3A_114 = arith.constant 0.000000e+00 : f32
      %broadcast_in_dim3A_115 = vector.broadcast %broadcast_in_dim3A_114 : f32 to vector<64x4xf32>
      %swap3A_116 = arith.constant 0 : index
      %swap3A_117 = arith.constant 0 : index
      %swap3A_118 = vector.load %arg12[%swap3A_116, %swap3A_117] : memref<64x4xf32, #tpu.memory_space<vmem>>, vector<64x4xf32>
      tpu.vector_store %arg12[%swap3A_116, %swap3A_117], %broadcast_in_dim3A_115 {strides = array<i32>} : memref<64x4xf32, #tpu.memory_space<vmem>>, vector<64x4xf32>,
    } else {
    }
    %get3A = arith.constant 0 : index
    %get3A_2 = arith.constant 0 : index
    %get3A_3 = vector.load %arg1[%get3A, %get3A_2] : memref<4x16384xf32, #tpu.memory_space<vmem>>, vector<4x16384xf32>
    %get3A_4 = arith.constant 0 : index
    %get3A_5 = arith.constant 0 : index
    %get3A_6 = vector.load %arg2[%get3A_4, %get3A_5] : memref<18x16384xf32, #tpu.memory_space<vmem>>, vector<18x16384xf32>
    %get3A_7 = arith.constant 0 : index
    %get3A_8 = arith.constant 0 : index
    %get3A_9 = vector.load %arg3[%get3A_7, %get3A_8] : memref<64x16384xf32, #tpu.memory_space<vmem>>, vector<64x16384xf32>
    %slice3A = vector.extract_strided_slice %get3A_3 {offsets = [0, 0], sizes = [1, 16384], strides = [1, 1]} : vector<4x16384xf32> to vector<1x16384xf32>
    %get3A_10 = arith.constant 0 : index
    %get3A_11 = arith.constant 0 : index
    %get3A_12 = vector.load %arg11[%get3A_10, %get3A_11] : memref<18x4xf32, #tpu.memory_space<vmem>>, vector<18x1xf32>
    %mul3A = vector.broadcast %slice3A : vector<1x16384xf32> to vector<18x16384xf32>
    %mul3A_13 = arith.mulf %get3A_6, %mul3A : vector<18x16384xf32>
    %reduce_sum3A = arith.constant dense<0.000000e+00> : vector<18xf32>
    %reduce_sum3A_14 = vector.multi_reduction <add>, %mul3A_13, %reduce_sum3A [1] : vector<18x16384xf32> to vector<18xf32>
    %broadcast_in_dim3A = vector.shape_cast %reduce_sum3A_14 : vector<18xf32> to vector<18x1xf32>
    %add3A = arith.addf %get3A_12, %broadcast_in_dim3A : vector<18x1xf32>
    %swap3A = arith.constant 0 : index
    %swap3A_15 = arith.constant 0 : index
    %swap3A_16 = vector.load %arg11[%swap3A, %swap3A_15] : memref<18x4xf32, #tpu.memory_space<vmem>>, vector<18x1xf32>
    tpu.vector_store %arg11[%swap3A, %swap3A_15], %add3A {strides = array<i32>} : memref<18x4xf32, #tpu.memory_space<vmem>>, vector<18x1xf32>,
    %get3A_17 = arith.constant 0 : index
    %get3A_18 = arith.constant 0 : index
    %get3A_19 = vector.load %arg12[%get3A_17, %get3A_18] : memref<64x4xf32, #tpu.memory_space<vmem>>, vector<64x1xf32>
    %mul3A_20 = vector.broadcast %slice3A : vector<1x16384xf32> to vector<64x16384xf32>
    %mul3A_21 = arith.mulf %get3A_9, %mul3A_20 : vector<64x16384xf32>
    %reduce_sum3A_22 = arith.constant dense<0.000000e+00> : vector<64xf32>
    %reduce_sum3A_23 = vector.multi_reduction <add>, %mul3A_21, %reduce_sum3A_22 [1] : vector<64x16384xf32> to vector<64xf32>
    %broadcast_in_dim3A_24 = vector.shape_cast %reduce_sum3A_23 : vector<64xf32> to vector<64x1xf32>
    %add3A_25 = arith.addf %get3A_19, %broadcast_in_dim3A_24 : vector<64x1xf32>
    %swap3A_26 = arith.constant 0 : index
    %swap3A_27 = arith.constant 0 : index
    %swap3A_28 = vector.load %arg12[%swap3A_26, %swap3A_27] : memref<64x4xf32, #tpu.memory_space<vmem>>, vector<64x1xf32>
    tpu.vector_store %arg12[%swap3A_26, %swap3A_27], %add3A_25 {strides = array<i32>} : memref<64x4xf32, #tpu.memory_space<vmem>>, vector<64x1xf32>,
    %slice3A_29 = vector.extract_strided_slice %get3A_3 {offsets = [1, 0], sizes = [1, 16384], strides = [1, 1]} : vector<4x16384xf32> to vector<1x16384xf32>
    %get3A_30 = arith.constant 0 : index
    %get3A_31 = arith.constant 1 : index
    %get3A_32 = vector.load %arg11[%get3A_30, %get3A_31] : memref<18x4xf32, #tpu.memory_space<vmem>>, vector<18x1xf32>
    %mul3A_33 = vector.broadcast %slice3A_29 : vector<1x16384xf32> to vector<18x16384xf32>
    %mul3A_34 = arith.mulf %get3A_6, %mul3A_33 : vector<18x16384xf32>
    %reduce_sum3A_35 = arith.constant dense<0.000000e+00> : vector<18xf32>
    %reduce_sum3A_36 = vector.multi_reduction <add>, %mul3A_34, %reduce_sum3A_35 [1] : vector<18x16384xf32> to vector<18xf32>
    %broadcast_in_dim3A_37 = vector.shape_cast %reduce_sum3A_36 : vector<18xf32> to vector<18x1xf32>
    %add3A_38 = arith.addf %get3A_32, %broadcast_in_dim3A_37 : vector<18x1xf32>
    %swap3A_39 = arith.constant 0 : index
    %swap3A_40 = arith.constant 1 : index
    %swap3A_41 = vector.load %arg11[%swap3A_39, %swap3A_40] : memref<18x4xf32, #tpu.memory_space<vmem>>, vector<18x1xf32>
    tpu.vector_store %arg11[%swap3A_39, %swap3A_40], %add3A_38 {strides = array<i32>} : memref<18x4xf32, #tpu.memory_space<vmem>>, vector<18x1xf32>,
    %get3A_42 = arith.constant 0 : index
    %get3A_43 = arith.constant 1 : index
    %get3A_44 = vector.load %arg12[%get3A_42, %get3A_43] : memref<64x4xf32, #tpu.memory_space<vmem>>, vector<64x1xf32>
    %mul3A_45 = vector.broadcast %slice3A_29 : vector<1x16384xf32> to vector<64x16384xf32>
    %mul3A_46 = arith.mulf %get3A_9, %mul3A_45 : vector<64x16384xf32>
    %reduce_sum3A_47 = arith.constant dense<0.000000e+00> : vector<64xf32>
    %reduce_sum3A_48 = vector.multi_reduction <add>, %mul3A_46, %reduce_sum3A_47 [1] : vector<64x16384xf32> to vector<64xf32>
    %broadcast_in_dim3A_49 = vector.shape_cast %reduce_sum3A_48 : vector<64xf32> to vector<64x1xf32>
    %add3A_50 = arith.addf %get3A_44, %broadcast_in_dim3A_49 : vector<64x1xf32>
    %swap3A_51 = arith.constant 0 : index
    %swap3A_52 = arith.constant 1 : index
    %swap3A_53 = vector.load %arg12[%swap3A_51, %swap3A_52] : memref<64x4xf32, #tpu.memory_space<vmem>>, vector<64x1xf32>
    tpu.vector_store %arg12[%swap3A_51, %swap3A_52], %add3A_50 {strides = array<i32>} : memref<64x4xf32, #tpu.memory_space<vmem>>, vector<64x1xf32>,
    %slice3A_54 = vector.extract_strided_slice %get3A_3 {offsets = [2, 0], sizes = [1, 16384], strides = [1, 1]} : vector<4x16384xf32> to vector<1x16384xf32>
    %get3A_55 = arith.constant 0 : index
    %get3A_56 = arith.constant 2 : index
    %get3A_57 = vector.load %arg11[%get3A_55, %get3A_56] : memref<18x4xf32, #tpu.memory_space<vmem>>, vector<18x1xf32>
    %mul3A_58 = vector.broadcast %slice3A_54 : vector<1x16384xf32> to vector<18x16384xf32>
    %mul3A_59 = arith.mulf %get3A_6, %mul3A_58 : vector<18x16384xf32>
    %reduce_sum3A_60 = arith.constant dense<0.000000e+00> : vector<18xf32>
    %reduce_sum3A_61 = vector.multi_reduction <add>, %mul3A_59, %reduce_sum3A_60 [1] : vector<18x16384xf32> to vector<18xf32>
    %broadcast_in_dim3A_62 = vector.shape_cast %reduce_sum3A_61 : vector<18xf32> to vector<18x1xf32>
    %add3A_63 = arith.addf %get3A_57, %broadcast_in_dim3A_62 : vector<18x1xf32>
    %swap3A_64 = arith.constant 0 : index
    %swap3A_65 = arith.constant 2 : index
    %swap3A_66 = vector.load %arg11[%swap3A_64, %swap3A_65] : memref<18x4xf32, #tpu.memory_space<vmem>>, vector<18x1xf32>
    tpu.vector_store %arg11[%swap3A_64, %swap3A_65], %add3A_63 {strides = array<i32>} : memref<18x4xf32, #tpu.memory_space<vmem>>, vector<18x1xf32>,
    %get3A_67 = arith.constant 0 : index
    %get3A_68 = arith.constant 2 : index
    %get3A_69 = vector.load %arg12[%get3A_67, %get3A_68] : memref<64x4xf32, #tpu.memory_space<vmem>>, vector<64x1xf32>
    %mul3A_70 = vector.broadcast %slice3A_54 : vector<1x16384xf32> to vector<64x16384xf32>
    %mul3A_71 = arith.mulf %get3A_9, %mul3A_70 : vector<64x16384xf32>
    %reduce_sum3A_72 = arith.constant dense<0.000000e+00> : vector<64xf32>
    %reduce_sum3A_73 = vector.multi_reduction <add>, %mul3A_71, %reduce_sum3A_72 [1] : vector<64x16384xf32> to vector<64xf32>
    %broadcast_in_dim3A_74 = vector.shape_cast %reduce_sum3A_73 : vector<64xf32> to vector<64x1xf32>
    %add3A_75 = arith.addf %get3A_69, %broadcast_in_dim3A_74 : vector<64x1xf32>
    %swap3A_76 = arith.constant 0 : index
    %swap3A_77 = arith.constant 2 : index
    %swap3A_78 = vector.load %arg12[%swap3A_76, %swap3A_77] : memref<64x4xf32, #tpu.memory_space<vmem>>, vector<64x1xf32>
    tpu.vector_store %arg12[%swap3A_76, %swap3A_77], %add3A_75 {strides = array<i32>} : memref<64x4xf32, #tpu.memory_space<vmem>>, vector<64x1xf32>,
    %slice3A_79 = vector.extract_strided_slice %get3A_3 {offsets = [3, 0], sizes = [1, 16384], strides = [1, 1]} : vector<4x16384xf32> to vector<1x16384xf32>
    %get3A_80 = arith.constant 0 : index
    %get3A_81 = arith.constant 3 : index
    %get3A_82 = vector.load %arg11[%get3A_80, %get3A_81] : memref<18x4xf32, #tpu.memory_space<vmem>>, vector<18x1xf32>
    %mul3A_83 = vector.broadcast %slice3A_79 : vector<1x16384xf32> to vector<18x16384xf32>
    %mul3A_84 = arith.mulf %get3A_6, %mul3A_83 : vector<18x16384xf32>
    %reduce_sum3A_85 = arith.constant dense<0.000000e+00> : vector<18xf32>
    %reduce_sum3A_86 = vector.multi_reduction <add>, %mul3A_84, %reduce_sum3A_85 [1] : vector<18x16384xf32> to vector<18xf32>
    %broadcast_in_dim3A_87 = vector.shape_cast %reduce_sum3A_86 : vector<18xf32> to vector<18x1xf32>
    %add3A_88 = arith.addf %get3A_82, %broadcast_in_dim3A_87 : vector<18x1xf32>
    %swap3A_89 = arith.constant 0 : index
    %swap3A_90 = arith.constant 3 : index
    %swap3A_91 = vector.load %arg11[%swap3A_89, %swap3A_90] : memref<18x4xf32, #tpu.memory_space<vmem>>, vector<18x1xf32>
    tpu.vector_store %arg11[%swap3A_89, %swap3A_90], %add3A_88 {strides = array<i32>} : memref<18x4xf32, #tpu.memory_space<vmem>>, vector<18x1xf32>,
    %get3A_92 = arith.constant 0 : index
    %get3A_93 = arith.constant 3 : index
    %get3A_94 = vector.load %arg12[%get3A_92, %get3A_93] : memref<64x4xf32, #tpu.memory_space<vmem>>, vector<64x1xf32>
    %mul3A_95 = vector.broadcast %slice3A_79 : vector<1x16384xf32> to vector<64x16384xf32>
    %mul3A_96 = arith.mulf %get3A_9, %mul3A_95 : vector<64x16384xf32>
    %reduce_sum3A_97 = arith.constant dense<0.000000e+00> : vector<64xf32>
    %reduce_sum3A_98 = vector.multi_reduction <add>, %mul3A_96, %reduce_sum3A_97 [1] : vector<64x16384xf32> to vector<64xf32>
    %broadcast_in_dim3A_99 = vector.shape_cast %reduce_sum3A_98 : vector<64xf32> to vector<64x1xf32>
    %add3A_100 = arith.addf %get3A_94, %broadcast_in_dim3A_99 : vector<64x1xf32>
    %swap3A_101 = arith.constant 0 : index
    %swap3A_102 = arith.constant 3 : index
    %swap3A_103 = vector.load %arg12[%swap3A_101, %swap3A_102] : memref<64x4xf32, #tpu.memory_space<vmem>>, vector<64x1xf32>
    tpu.vector_store %arg12[%swap3A_101, %swap3A_102], %add3A_100 {strides = array<i32>} : memref<64x4xf32, #tpu.memory_space<vmem>>, vector<64x1xf32>,
    %eq3A_104 = arith.constant 31 : i32
    %eq3A_105 = arith.cmpi eq, %arg0, %eq3A_104 : i32
    %convert_element_type3A_106 = arith.extui %eq3A_105 : i1 to i32
    %cond3A_107 = arith.constant 0 : i32
    %cond3A_108 = arith.cmpi ne, %convert_element_type3A_106, %cond3A_107 : i32
    scf.if %cond3A_108 {
      %get3A_109 = arith.constant 0 : index
      %get3A_110 = arith.constant 0 : index
      %get3A_111 = vector.load %arg11[%get3A_109, %get3A_110] : memref<18x4xf32, #tpu.memory_space<vmem>>, vector<18x4xf32>
      %transpose3A = tpu.transpose %get3A_111, [1, 0] : vector<18x4xf32> -> vector<4x18xf32>
      %get3A_112 = arith.constant 0 : index
      %get3A_113 = arith.constant 0 : index
      %get3A_114 = vector.load %arg4[%get3A_112, %get3A_113] : memref<1x18xf32, #tpu.memory_space<vmem>>, vector<1x18xf32>
      %add3A_115 = vector.broadcast %get3A_114 : vector<1x18xf32> to vector<4x18xf32>
      %add3A_116 = arith.addf %transpose3A, %add3A_115 : vector<4x18xf32>
      %max3A = arith.constant 0.000000e+00 : f32
      %max3A_117 = vector.broadcast %max3A : f32 to vector<4x18xf32>
      %max3A_118 = arith.maximumf %add3A_116, %max3A_117 : vector<4x18xf32>
      %get3A_119 = arith.constant 0 : index
      %get3A_120 = arith.constant 0 : index
      %get3A_121 = vector.load %arg12[%get3A_119, %get3A_120] : memref<64x4xf32, #tpu.memory_space<vmem>>, vector<64x4xf32>
      %transpose3A_122 = tpu.transpose %get3A_121, [1, 0] : vector<64x4xf32> -> vector<4x64xf32>
      %get3A_123 = arith.constant 0 : index
      %get3A_124 = arith.constant 0 : index
      %get3A_125 = vector.load %arg5[%get3A_123, %get3A_124] : memref<1x64xf32, #tpu.memory_space<vmem>>, vector<1x64xf32>
      %add3A_126 = vector.broadcast %get3A_125 : vector<1x64xf32> to vector<4x64xf32>
      %add3A_127 = arith.addf %transpose3A_122, %add3A_126 : vector<4x64xf32>
      %max3A_128 = arith.constant 0.000000e+00 : f32
      %max3A_129 = vector.broadcast %max3A_128 : f32 to vector<4x64xf32>
      %max3A_130 = arith.maximumf %add3A_127, %max3A_129 : vector<4x64xf32>
      %get3A_131 = arith.constant 0 : index
      %get3A_132 = arith.constant 0 : index
      %get3A_133 = vector.load %arg6[%get3A_131, %get3A_132] : memref<64x64xf32, #tpu.memory_space<vmem>>, vector<64x64xf32>
      %dot_general3A = arith.constant dense<0.000000e+00> : vector<4x64xf32>
      %dot_general3A_134 = tpu.matmul %max3A_130, %get3A_133, %dot_general3A {dimension_numbers = #tpu.dot_dimension_numbers<[1], [0], [0], [1], [0, 0, 1, 1], [], []>, precision = #tpu.contract_precision<fp32>, transpose_lhs_hint = false} : vector<4x64xf32>, vector<64x64xf32>, vector<4x64xf32> -> vector<4x64xf32>
      %get3A_135 = arith.constant 0 : index
      %get3A_136 = arith.constant 0 : index
      %get3A_137 = vector.load %arg7[%get3A_135, %get3A_136] : memref<1x64xf32, #tpu.memory_space<vmem>>, vector<1x64xf32>
      %add3A_138 = vector.broadcast %get3A_137 : vector<1x64xf32> to vector<4x64xf32>
      %add3A_139 = arith.addf %dot_general3A_134, %add3A_138 : vector<4x64xf32>
      %max3A_140 = arith.constant 0.000000e+00 : f32
      %max3A_141 = vector.broadcast %max3A_140 : f32 to vector<4x64xf32>
      %max3A_142 = arith.maximumf %add3A_139, %max3A_141 : vector<4x64xf32>
      %get3A_143 = arith.constant 0 : index
      %get3A_144 = arith.constant 0 : index
      %get3A_145 = vector.load %arg8[%get3A_143, %get3A_144] : memref<64x1xf32, #tpu.memory_space<vmem>>, vector<64x1xf32>
      %dot_general3A_146 = arith.constant dense<0.000000e+00> : vector<4x1xf32>
      %dot_general3A_147 = tpu.matmul %max3A_142, %get3A_145, %dot_general3A_146 {dimension_numbers = #tpu.dot_dimension_numbers<[1], [0], [0], [1], [0, 0, 1, 1], [], []>, precision = #tpu.contract_precision<fp32>, transpose_lhs_hint = false} : vector<4x64xf32>, vector<64x1xf32>, vector<4x1xf32> -> vector<4x1xf32>
      %get3A_148 = arith.constant 0 : index
      %get3A_149 = arith.constant 0 : index
      %get3A_150 = vector.load %arg9[%get3A_148, %get3A_149] : memref<1x1xf32, #tpu.memory_space<vmem>>, vector<1x1xf32>
      %add3A_151 = vector.broadcast %get3A_150 : vector<1x1xf32> to vector<4x1xf32>
      %add3A_152 = arith.addf %dot_general3A_147, %add3A_151 : vector<4x1xf32>
      %iota3A = tpu.iota {dimensions = array<i32: 0>} : vector<18x18xi32>
      %jit3A = arith.constant 6 : i32
      %div3A = vector.broadcast %jit3A : i32 to vector<18x18xi32>
      %div3A_153 = arith.divsi %iota3A, %div3A : vector<18x18xi32>
      %sign3A = arith.constant 0 : i32
      %sign3A_154 = vector.broadcast %sign3A : i32 to vector<18x18xi32>
      %sign3A_155 = arith.cmpi sgt, %iota3A, %sign3A_154 : vector<18x18xi32>
      %sign3A_156 = arith.extui %sign3A_155 : vector<18x18xi1> to vector<18x18xi32>
      %sign3A_157 = arith.constant 0 : i32
      %sign3A_158 = vector.broadcast %sign3A_157 : i32 to vector<18x18xi32>
      %sign3A_159 = arith.cmpi slt, %iota3A, %sign3A_158 : vector<18x18xi32>
      %sign3A_160 = arith.extui %sign3A_159 : vector<18x18xi1> to vector<18x18xi32>
      %sign3A_161 = arith.subi %sign3A_156, %sign3A_160 : vector<18x18xi32>
      %sign3A_162 = arith.constant 0 : i32
      %sign3A_163 = arith.cmpi sgt, %jit3A, %sign3A_162 : i32
      %sign3A_164 = arith.extui %sign3A_163 : i1 to i32
      %sign3A_165 = arith.constant 0 : i32
      %sign3A_166 = arith.cmpi slt, %jit3A, %sign3A_165 : i32
      %sign3A_167 = arith.extui %sign3A_166 : i1 to i32
      %sign3A_168 = arith.subi %sign3A_164, %sign3A_167 : i32
      %ne3A = vector.broadcast %sign3A_168 : i32 to vector<18x18xi32>
      %ne3A_169 = arith.cmpi ne, %sign3A_161, %ne3A : vector<18x18xi32>
      %rem3A = vector.broadcast %jit3A : i32 to vector<18x18xi32>
      %rem3A_170 = arith.remsi %iota3A, %rem3A : vector<18x18xi32>
      %ne3A_171 = arith.constant 0 : i32
      %ne3A_172 = vector.broadcast %ne3A_171 : i32 to vector<18x18xi32>
      %ne3A_173 = arith.cmpi ne, %rem3A_170, %ne3A_172 : vector<18x18xi32>
      %and3A = arith.andi %ne3A_169, %ne3A_173 : vector<18x18xi1>
      %sub3A = arith.constant 1 : i32
      %sub3A_174 = vector.broadcast %sub3A : i32 to vector<18x18xi32>
      %sub3A_175 = arith.subi %div3A_153, %sub3A_174 : vector<18x18xi32>
      %select_n3A = arith.select %and3A, %sub3A_175, %div3A_153 : vector<18x18xi1>, vector<18x18xi32>
      %iota3A_176 = tpu.iota {dimensions = array<i32: 1>} : vector<18x18xi32>
      %jit3A_177 = arith.constant 6 : i32
      %div3A_178 = vector.broadcast %jit3A_177 : i32 to vector<18x18xi32>
      %div3A_179 = arith.divsi %iota3A_176, %div3A_178 : vector<18x18xi32>
      %sign3A_180 = arith.constant 0 : i32
      %sign3A_181 = vector.broadcast %sign3A_180 : i32 to vector<18x18xi32>
      %sign3A_182 = arith.cmpi sgt, %iota3A_176, %sign3A_181 : vector<18x18xi32>
      %sign3A_183 = arith.extui %sign3A_182 : vector<18x18xi1> to vector<18x18xi32>
      %sign3A_184 = arith.constant 0 : i32
      %sign3A_185 = vector.broadcast %sign3A_184 : i32 to vector<18x18xi32>
      %sign3A_186 = arith.cmpi slt, %iota3A_176, %sign3A_185 : vector<18x18xi32>
      %sign3A_187 = arith.extui %sign3A_186 : vector<18x18xi1> to vector<18x18xi32>
      %sign3A_188 = arith.subi %sign3A_183, %sign3A_187 : vector<18x18xi32>
      %sign3A_189 = arith.constant 0 : i32
      %sign3A_190 = arith.cmpi sgt, %jit3A_177, %sign3A_189 : i32
      %sign3A_191 = arith.extui %sign3A_190 : i1 to i32
      %sign3A_192 = arith.constant 0 : i32
      %sign3A_193 = arith.cmpi slt, %jit3A_177, %sign3A_192 : i32
      %sign3A_194 = arith.extui %sign3A_193 : i1 to i32
      %sign3A_195 = arith.subi %sign3A_191, %sign3A_194 : i32
      %ne3A_196 = vector.broadcast %sign3A_195 : i32 to vector<18x18xi32>
      %ne3A_197 = arith.cmpi ne, %sign3A_188, %ne3A_196 : vector<18x18xi32>
      %rem3A_198 = vector.broadcast %jit3A_177 : i32 to vector<18x18xi32>
      %rem3A_199 = arith.remsi %iota3A_176, %rem3A_198 : vector<18x18xi32>
      %ne3A_200 = arith.constant 0 : i32
      %ne3A_201 = vector.broadcast %ne3A_200 : i32 to vector<18x18xi32>
      %ne3A_202 = arith.cmpi ne, %rem3A_199, %ne3A_201 : vector<18x18xi32>
      %and3A_203 = arith.andi %ne3A_197, %ne3A_202 : vector<18x18xi1>
      %sub3A_204 = arith.constant 1 : i32
      %sub3A_205 = vector.broadcast %sub3A_204 : i32 to vector<18x18xi32>
      %sub3A_206 = arith.subi %div3A_179, %sub3A_205 : vector<18x18xi32>
      %select_n3A_207 = arith.select %and3A_203, %sub3A_206, %div3A_179 : vector<18x18xi1>, vector<18x18xi32>
      %eq3A_208 = arith.cmpi eq, %select_n3A, %select_n3A_207 : vector<18x18xi32>
      %jit3A_209 = arith.constant 0.166666672 : f32
      %jit3A_210 = arith.constant 0.000000e+00 : f32
      %broadcast_in_dim3A_211 = vector.broadcast %jit3A_209 : f32 to vector<18x18xf32>
      %broadcast_in_dim3A_212 = vector.broadcast %jit3A_210 : f32 to vector<18x18xf32>
      %select_n3A_213 = arith.select %eq3A_208, %broadcast_in_dim3A_211, %broadcast_in_dim3A_212 : vector<18x18xi1>, vector<18x18xf32>
      %dot_general3A_214 = arith.constant dense<0.000000e+00> : vector<4x18xf32>
      %dot_general3A_215 = tpu.matmul %max3A_118, %select_n3A_213, %dot_general3A_214 {dimension_numbers = #tpu.dot_dimension_numbers<[1], [0], [0], [1], [0, 0, 1, 1], [], []>, precision = #tpu.contract_precision<fp32>, transpose_lhs_hint = false} : vector<4x18xf32>, vector<18x18xf32>, vector<4x18xf32> -> vector<4x18xf32>
      %sub3A_216 = arith.subf %max3A_118, %dot_general3A_215 : vector<4x18xf32>
      %add3A_217 = vector.broadcast %add3A_152 : vector<4x1xf32> to vector<4x18xf32>
      %add3A_218 = arith.addf %sub3A_216, %add3A_217 : vector<4x18xf32>
      %swap3A_219 = arith.constant 0 : index
      %swap3A_220 = arith.constant 0 : index
      %swap3A_221 = vector.load %arg10[%swap3A_219, %swap3A_220] : memref<4x18xf32, #tpu.memory_space<vmem>>, vector<4x18xf32>
      tpu.vector_store %arg10[%swap3A_219, %swap3A_220], %add3A_218 {strides = array<i32>} : memref<4x18xf32, #tpu.memory_space<vmem>>, vector<4x18xf32>,
    } else {
    }
    return
  }
  func.func @transform_0(%arg0: i32) -> (i32, i32) {
    %c0_i32 = arith.constant 0 : i32
    %c0_i32_0 = arith.constant 0 : i32
    return %c0_i32, %arg0 : i32, i32
  }
  func.func @transform_1(%arg0: i32) -> (i32, i32) {
    %c0_i32 = arith.constant 0 : i32
    %c0_i32_0 = arith.constant 0 : i32
    return %c0_i32, %arg0 : i32, i32
  }
  func.func @transform_2(%arg0: i32) -> (i32, i32) {
    %c0_i32 = arith.constant 0 : i32
    %c0_i32_0 = arith.constant 0 : i32
    return %c0_i32, %arg0 : i32, i32
  }
  func.func @transform_3(%arg0: i32) -> (i32, i32) {
    %c0_i32 = arith.constant 0 : i32
    %c0_i32_0 = arith.constant 0 : i32
    %c0_i32_1 = arith.constant 0 : i32
    return %c0_i32, %c0_i32_0 : i32, i32
  }
  func.func @transform_4(%arg0: i32) -> (i32, i32) {
    %c0_i32 = arith.constant 0 : i32
    %c0_i32_0 = arith.constant 0 : i32
    %c0_i32_1 = arith.constant 0 : i32
    return %c0_i32, %c0_i32_0 : i32, i32
  }
  func.func @transform_5(%arg0: i32) -> (i32, i32) {
    %c0_i32 = arith.constant 0 : i32
    %c0_i32_0 = arith.constant 0 : i32
    %c0_i32_1 = arith.constant 0 : i32
    return %c0_i32, %c0_i32_0 : i32, i32
  }
  func.func @transform_6(%arg0: i32) -> (i32, i32) {
    %c0_i32 = arith.constant 0 : i32
    %c0_i32_0 = arith.constant 0 : i32
    %c0_i32_1 = arith.constant 0 : i32
    return %c0_i32, %c0_i32_0 : i32, i32
  }
  func.func @transform_7(%arg0: i32) -> (i32, i32) {
    %c0_i32 = arith.constant 0 : i32
    %c0_i32_0 = arith.constant 0 : i32
    %c0_i32_1 = arith.constant 0 : i32
    return %c0_i32, %c0_i32_0 : i32, i32
  }
  func.func @transform_8(%arg0: i32) -> (i32, i32) {
    %c0_i32 = arith.constant 0 : i32
    %c0_i32_0 = arith.constant 0 : i32
    %c0_i32_1 = arith.constant 0 : i32
    return %c0_i32, %c0_i32_0 : i32, i32
  }
  func.func @transform_9(%arg0: i32) -> (i32, i32) {
    %c0_i32 = arith.constant 0 : i32
    %c0_i32_0 = arith.constant 0 : i32
    %c0_i32_1 = arith.constant 0 : i32
    return %c0_i32, %c0_i32_0 : i32, i32
  }
}

</mosaic_0001>

<sc_bundles>
// kernel: kernel.11.cloned.1.call-start
scs
__scs_entry_jumppad:
0x0: {  	(pc) =	sbr.rel $0x88, $3  }
0x1: {  	(tag) =	ssettag $0x0;
	lr =	simm.s32 $0x1  }
0x2: {  	[smem:$0x3F8F] =	sst lr;
	_ =	strace $0xD0000000  }
0x3: {  	_ = 	snop  }
0x4: {  	_ = 	snop  }
0x5: {  	_ = 	snop  }
0x6: {  	_ = 	snop  }
0x7: {  	_ = 	snop  }
__scs_overlays_trampoline_lowered:
0x8: {  	[smem:$0x3F9E] =	sst s0  }
0x9: {  	[smem:$0x3F9F] =	sst s1  }
0xa: {  	[smem:$0x3FA0] =	sst s2  }
0xb: {  	[smem:$0x3FA1] =	sst s3  }
0xc: {  	[smem:$0x3FA2] =	sst s4  }
0xd: {  	[smem:$0x3FA3] =	sst s5  }
0xe: {  	[smem:$0x3FA4] =	sst s6  }
0xf: {  	[smem:$0x3FA5] =	sst s7  }
0x10: {  	[smem:$0x3FA6] =	sst s8  }
0x11: {  	[smem:$0x3FA7] =	sst s9;
	s0 =	simm.s32 @!p0 $0x0  }
0x12: {  	s1 =	sld [smem:$0x3F8D];
	s0 =	simm.s32 @p0 $0x1  }
0x13: {  	[smem:$0x3FA8] =	sst s0;
	s0 =	simm.s32 @!p1 $0x0  }
0x14: {  	s2 =	sld [smem:$0x3F8C];
	s0 =	simm.s32 @p1 $0x1  }
0x15: {  	[smem:$0x3FA9] =	sst s0;
	s0 =	simm.s32 @!p2 $0x0  }
0x16: {  	s3 =	sld [smem:$0x3FDB];
	s0 =	simm.s32 @p2 $0x1  }
0x17: {  	s4 =	simm.s32 $0x1BF5;
	[smem:$0x3FAB] =	sst s0  }
0x18: {  	s0 =	sld [smem:$0x3F8E];
	_ =	swait.ge [sflag:s4], $0x0  }
0x19: {  	s7 =	sld [smem:$0x3F8F]  }
0x1a: {  	s8 =	sadd.s32 $0xFFFFE003, lr  }
0x1b: {  	s9 =	sadd.s32 $0xFFFFFEF7, lr;
	s5 =	simm.s32 $0xFFFFFFFF;
	p2 =	slt.u32 s8, $0xFFFFF086  }
0x1c: {  	p1 =	slt.u32 s9, $0xF7A;
	s5 =	simm.s32 @!p2 $0x0  }
0x1d: {  	s5 =	simm.s32 @p1 $0x1;
	p0 =	seq.s32 s7, s2  }
0x1e: {  	s7 =	smul.u32 @!p0 $0xF7A, s2;
	p2 =	seq.s32 @!p0 s5, $0x0  }
0x1f: {  	s9 =	smul.u32 $0xF7A, s1;
	s8 =	simm.s32 @!p0 $0x1BF5;
	p2 =	por !p2, p0  }
0x20: {  	[sflag:s8] =	ssyncset.s32 @!p0 $0xFFFFF086;
	s6 =	sadd.s32 @!p0 s3, s7;
	s7 =	simm.s32 @!p0 $0x108  }
0x21: {  	s3 =	sadd.s32 s3, s9;
	s6 =	sadd.s32 @!p0 $0x88, s6;
	s7 =	simm.s32 @p2 $0x1082  }
0x22: {  	[simem:s7], [sflag:s8] =	dma.local @!p0 [hbm:s6], $0xF7A  }
0x23: {  	s9 =	sor.u32 $0xD0000000, s2;
	s6 =	simm.s32 $0x108;
	_ =	swait.ge @!p0 [sflag:s8], $0x0  }
0x24: {  	s3 =	sadd.s32 $0x88, s3;
	s6 =	simm.s32 @!p1 $0x1082;
	[sflag:s4] =	ssyncset.s32 $0xFFFFF086  }
0x25: {  	[simem:s6], [sflag:s4] =	dma.local [hbm:s3], $0xF7A  }
0x26: {  	[smem:$0x3F8F] =	sst s1;
	(tag) =	ssettag s2;
	_ =	strace s9  }
0x27: {  	s1 =	sld [smem:$0x3F9F]  }
0x28: {  	s2 =	sld [smem:$0x3FA0]  }
0x29: {  	s4 =	sld [smem:$0x3FA2]  }
0x2a: {  	p0 =	seq.s32 s5, $0x0;
	s5 =	sld [smem:$0x3FA3]  }
0x2b: {  	s6 =	sld [smem:$0x3FA4]  }
0x2c: {  	s7 =	sld [smem:$0x3FA5]  }
0x2d: {  	s3 =	simm.s32 $0x108;
	s8 =	sld [smem:$0x3FA6]  }
0x2e: {  	s3 =	simm.s32 @!p0 $0x1082;
	s9 =	sld [smem:$0x3FA7]  }
0x2f: {  	lr =	sadd.s32 s0, s3;
	s0 =	sld [smem:$0x3F9E]  }
0x30: {  	s3 =	sld [smem:$0x3FA1]  }
0x31: {  	[smem:$0x3FAA] =	sst s10  }
0x32: {  	s10 =	sld [smem:$0x3FA8];
	_ =	sdelay $0x3  }
0x33: {  	p0 =	seq.s32 s10, $0x1;
	s10 =	sld [smem:$0x3FAA];
	_ =	sdelay $0x3  }
0x34: {  	[smem:$0x3FAA] =	sst s10  }
0x35: {  	s10 =	sld [smem:$0x3FA9];
	_ =	sdelay $0x3  }
0x36: {  	p1 =	seq.s32 s10, $0x1;
	s10 =	sld [smem:$0x3FAA];
	_ =	sdelay $0x3  }
0x37: {  	[smem:$0x3FAA] =	sst s10  }
0x38: {  	s10 =	sld [smem:$0x3FAB]  }
0x39: {  	_ = 	snop;
	(pc) =	sbr.ind lr, $3  }
0x3a: {  	_ = 	snop  }
0x3b: {  	_ = 	snop  }
0x3c: {  	p2 =	seq.s32 s10, $0x1;
	s10 =	sld [smem:$0x3FAA]  }
0x3d: {  	_ =	shalt  }
0x3e: {  	_ =	shalt  }
0x3f: {  	_ =	shalt  }
0x40: {  	_ =	shalt  }
0x41: {  	_ =	shalt  }
0x42: {  	_ =	shalt  }
0x43: {  	_ =	shalt  }
0x44: {  	_ =	shalt  }
0x45: {  	_ =	shalt  }
0x46: {  	_ =	shalt  }
0x47: {  	_ =	shalt  }
0x48: {  	_ =	shalt  }
0x49: {  	_ =	shalt  }
0x4a: {  	_ =	shalt  }
0x4b: {  	_ =	shalt  }
0x4c: {  	_ =	shalt  }
0x4d: {  	_ =	shalt  }
0x4e: {  	_ =	shalt  }
0x4f: {  	_ =	shalt  }
0x50: {  	_ =	shalt  }
0x51: {  	_ =	shalt  }
0x52: {  	_ =	shalt  }
0x53: {  	_ =	shalt  }
0x54: {  	_ =	shalt  }
0x55: {  	_ =	shalt  }
0x56: {  	_ =	shalt  }
0x57: {  	_ =	shalt  }
0x58: {  	_ =	shalt  }
0x59: {  	_ =	shalt  }
0x5a: {  	_ =	shalt  }
0x5b: {  	_ =	shalt  }
0x5c: {  	_ =	shalt  }
0x5d: {  	_ =	shalt  }
0x5e: {  	_ =	shalt  }
0x5f: {  	_ =	shalt  }
0x60: {  	_ =	shalt  }
0x61: {  	_ =	shalt  }
0x62: {  	_ =	shalt  }
0x63: {  	_ =	shalt  }
0x64: {  	_ =	shalt  }
0x65: {  	_ =	shalt  }
0x66: {  	_ =	shalt  }
0x67: {  	_ =	shalt  }
0x68: {  	_ =	shalt  }
0x69: {  	_ =	shalt  }
0x6a: {  	_ =	shalt  }
0x6b: {  	_ =	shalt  }
0x6c: {  	_ =	shalt  }
0x6d: {  	_ =	shalt  }
0x6e: {  	_ =	shalt  }
0x6f: {  	_ =	shalt  }
0x70: {  	_ =	shalt  }
0x71: {  	_ =	shalt  }
0x72: {  	_ =	shalt  }
0x73: {  	_ =	shalt  }
0x74: {  	_ =	shalt  }
0x75: {  	_ =	shalt  }
0x76: {  	_ =	shalt  }
0x77: {  	_ =	shalt  }
0x78: {  	_ =	shalt  }
0x79: {  	_ =	shalt  }
0x7a: {  	_ =	shalt  }
0x7b: {  	_ =	shalt  }
0x7c: {  	_ =	shalt  }
0x7d: {  	_ =	shalt  }
0x7e: {  	_ =	shalt  }
0x7f: {  	_ =	shalt  }
0x80: {  	_ =	shalt  }
0x81: {  	_ =	shalt  }
0x82: {  	_ =	shalt  }
0x83: {  	_ =	shalt  }
0x84: {  	_ =	shalt  }
0x85: {  	_ =	shalt  }
0x86: {  	_ =	shalt  }
0x87: {  	_ =	shalt  }
.Lfunc_end0:
.L_simem_size_0:
called_computation_lowered:
.L_overlay_start_0:
0x88: {  	s2 =	sld [smem:$0x3FD9]  }
0x89: {  	s3 =	sld [smem:$0x3FFE];
	_ =	sdelay $0x1  }
0x8a: {  	s1 =	srdreg.scid  }
0x8b: {  	s0 =	sand.u32 $0x1, s1  }
0x8c: {  	s16 =	sshll.u32 s0, $0xA;
	s2 =	sadd.s32 s3, s2  }
0x8d: {  	s2 =	sadd.s32 s2, s16  }
0x8e: {  	[smem:$0x3FB6] =	sst s2  }
0x8f: {  	_ = 	snop  }
0x90: {  	(tm) =	ssettm $0x1  }
0x91: {  	s17 =	sld [smem:$0x3FFB];
	_ =	sdelay $0x3  }
0x92: {  	_ =	strace s17  }
0x93: {  	s2 =	sld [smem:$0x3FFC];
	_ =	sdelay $0x3  }
0x94: {  	_ =	strace s2  }
0x95: {  	s2 =	sld [smem:$0x3FFD];
	_ =	sdelay $0x3  }
0x96: {  	_ =	strace s2  }
0x97: {  	_ =	strace $0x8FFFFFFF  }
0x98: {  	s18 =	sld [smem:$0x3FDB];
	_ =	sdelay $0x1  }
0x99: {  	s19 =	simm.s32 $_scs_section_size  }
0x9a: {  	s4 =	simm.s32 $_size__tile_overlayer_lowered;
	s5 =	simm.s32 $_tile_overlayer_lowered  }
0x9b: {  	s22 =	simm.s32 $0x1BFF;
	s21 =	sshll.u32 s5, $0x1;
	s2 =	sadd.s32 s19, s18  }
0x9c: {  	s6 =	simm.s32 $0x0;
	s20 =	sshll.u32 s4, $0x1;
	s4 =	sadd.s32 s21, s2  }
0x9d: {  	[timem:s6], [sflag:s22] =	dma.local [hbm:s4], s20  }
0x9e: {  	_ =	swait.ge [sflag:s22], s20  }
0x9f: {  	s3 =	ssub.s32 $0x0, s20;
	[sflag:s22] =	ssyncset.done $0x0  }
0xa0: {  	[sflag:s22] =	ssyncadd.s32 s3;
	_ =	sdelay $0x1  }
0xa1: {  	s23 =	simm.s32 $0x1B8B  }
0xa2: {  	_ =	swait.ge [sflag:s23], $0x1  }
0xa3: {  	[sflag:s23] =	ssyncset.done $0x0  }
0xa4: {  	s25 =	simm.s32 $0x1B8E;
	s24 =	sld [smem:$0x3FFE];
	[sflag:s23] =	ssyncadd.s32 $0xFFFFFFFF  }
0xa5: {  	s26 =	simm.s32 $execute0_lowered;
	[smem:$0x3FD2] =	sst s25  }
0xa6: {  	s4 =	sshll.u32 s26, $0x1;
	_ =	strace $0x80000046;
	[dreg:$0x1] =	wrdreg $0xFFFFFFFF  }
0xa7: {  	s28 =	simm.s32 $_size_execute0_lowered;
	s2 =	sadd.s32 s2, s4;
	[dreg:$0x0] =	wrdreg $0x0  }
0xa8: {  	s4 =	sshll.u32 s28, $0x1;
	[dreg:$0x2] =	wrdreg s2  }
0xa9: {  	[dreg:$0x3] =	wrdreg s4  }
0xaa: {  	[dreg:$0x4] =	wrdreg $0xC0  }
0xab: {  	_ =	task [dreg:s6], $0x5FFFF  }
0xac: {  	[dreg:$0x1] =	wrdreg $0xFFFFFFFF  }
0xad: {  	[dreg:$0x0] =	wrdreg $0x60  }
0xae: {  	[dreg:$0x2] =	wrdreg s24  }
0xaf: {  	[dreg:$0x3] =	wrdreg $0x9  }
0xb0: {  	_ =	task.clear_ibuf [dreg:s6], $0x4FFFF;
	_ =	strace $0x90000046  }
0xb1: {  	s29 =	simm.s32 $0x9;
	_ =	strace $0x80000048  }
0xb2: {  	_ =	swait.ge [sflag:s29], $0x1  }
0xb3: {  	[sflag:s29] =	ssyncadd.s32 $0xFFFFFFFF  }
0xb4: {  	_ =	strace $0x90000048  }
0xb5: {  	_ =	sfence  }
0xb6: {  	s30 =	sld [smem:$0x0];
	_ =	sdelay $0x2  }
0xb7: {  	s31 =	sshll.u32 s1, $0xD;
	s1 =	sshrl.u32 s1, $0x2  }
0xb8: {  	s3 =	sand.u32 $0x4000, s31;
	s1 =	sadd.s32 s1, s30  }
0xb9: {  	s0 =	sor.u32 s3, s0;
	s1 =	sshll.u32 s1, $0x11  }
0xba: {  	s0 =	sor.u32 s1, s0  }
0xbb: {  	s0 =	sadd.s32 $0x8F2B, s0  }
0xbc: {  	[sflag:s0] =	ssyncadd.remote.s32 $0x1  }
0xbd: {  	_ =	sfence.sel $0xFFFF  }
0xbe: {  	[dreg:$0x0] =	wrdreg $0xFFFFFFFF;
	(pc) =	sbr.abs _section_cstart, $3  }
0xbf: {  	[dreg:$0x1] =	wrdreg $0xFFFFFFFF  }
0xc0: {  	_ =	task.clear_ibuf [dreg:s6], $0x2FFFF;
	_ =	strace $0x9FFFFFFF  }
0xc1: {  	(tm) =	ssettm $0x7FFFFFFF  }
tec
execute0_lowered:
.L_overlay_start_1:
0x0: {  	(tag) =	ssettag $0x1  }
0x1: {  	s0 =	srdreg.scid  }
0x2: {  	s7 =	rddreg [dreg:$0x0];
	s2 =	simm.s32 $0x0;
	s4 =	simm.s32 $0x1  }
0x3: {  	s13 =	simm.s32 $0x8000;
	s15 =	simm.s32 $0xD000;
	s6 =	sand.u32 $0x1, s0  }
0x4: {  	s16 =	simm.s32 $0x0;
	s0 =	stileid.u32;
	s1 =	sshll.u32 s6, $0x4  }
0x5: {  	[smem:$0x7FF] =	sst s2;
	s8 =	sand.u32 $0x3, s0;
	s3 =	sor.u32 s0, s1  }
0x6: {  	s30 =	ssub.s32 $0x2, s6;
	p1 =	sne.s32 s8, $0x0;
	p0 =	seq.s32 s3, $0x0  }
0x7: {  	s6 =	sadd.s32 $0x47E00, s7;
	s1 =	rddreg [dreg:$0x1];
	p0 =	por !p1, !p0  }
0x8: {  	_ =	strace $0x80000047;
	s12 =	sshll.u32 s8, $0x10;
	p0 =	por !p0, !p0  }
0x9: {  	s14 =	sshll.u32 s8, $0x7;
	s3 =	sshrl.u32 s3, $0x2;
	s4 =	simm.s32 @!p0 $0x0  }
0xa: {  	s31 =	sshrl.u32 s30, $0x1;
	v2 =	vmov s14;
	s14 =	simm.s32 $0xC000;
	s11 =	ssub.s32 s3, s4  }
0xb: {  	s3 =	sadd.s32 $0x3600, s7;
	s4 =	sadd.s32 $0x2E00, s7;
	s5 =	sshll.u32 s11, $0xE  }
0xc: {  	s9 =	sshll.u32 s11, $0x7;
	s10 =	sshll.u32 s11, $0x12;
	v1 =	vmov s11;
	s11 =	simm.s32 $0x80  }
0xd: {  	s5 =	sand.u32 $0xFFFE0000, s5;
	s9 =	sand.u32 $0x380, s9;
	s10 =	sor.u32 s12, s10  }
0xe: {  	s12 =	ssub.s32 s30, s31;
	s9 =	sor.u32 s9, s5;
	s10 =	sshrl.u32 s10, $0x3  }
0xf: {  	v0 =	vlaneseq.u32;
	s5 =	simm.s32 $0x1;
	s9 =	sshrl.u32 s9, $0x3;
	s10 =	sadd.s32 s10, s7  }
0x10: {  	v4 =	vand.u32 $0x7, v0;
	s9 =	sadd.s32 s9, s7;
	s8 =	sadd.s32 $0x48000, s10;
	s10 =	simm.s32 $0x4000  }
0x11: {  	v3 =	vimm.f32 $0.0e+00;
	v4 =	vmul.u32 $0x80, v4;
	s7 =	sadd.s32 $0x43E00, s9;
	s9 =	smax.u32 s12, $0x1;
	s12 =	simm.s32 $0x400  }
.LBB2_1:
0x12: {  	[tilespmem:s2], [sflag:$0x1] =	stream.linear.gather [hbm4b:s3+s2], $0x4000, $0x38;
	[tilespmem:$0x1D000] =	vst v63  }
0x13: {  	_ =	swait.ge [sflag:s5], $0x4000  }
0x14: {  	[sflag:s5] =	ssyncset.done $0x0  }
0x15: {  	[sflag:s5] =	ssyncadd.s32 $0xFFFFC000  }
0x16: {  	[tilespmem:s10], [sflag:$0x1] =	stream.linear.gather [hbm4b:s4+s2], $0x4000, $0x38;
	[tilespmem:$0x1D000] =	vst v63  }
0x17: {  	_ =	swait.ge [sflag:s5], $0x4000  }
0x18: {  	[sflag:s5] =	ssyncset.done $0x0  }
0x19: {  	[sflag:s5] =	ssyncadd.s32 $0xFFFFC000  }
0x1a: {  	[tilespmem:s13], [sflag:$0x1] =	stream.strided.gather [hbm4b:s7+s11], $0x4000, s12, s11, $0x38;
	[tilespmem:$0x1D000] =	vst v63  }
0x1b: {  	_ =	swait.ge [sflag:s5], $0x4000  }
0x1c: {  	[sflag:s5] =	ssyncset.done $0x0  }
0x1d: {  	[sflag:s5] =	ssyncadd.s32 $0xFFFFC000  }
0x1e: {  	[tilespmem:s14], [sflag:$0x1] =	stream.linear.gather [hbm4b:s6+s2], $0x1000, $0x38;
	[tilespmem:$0x1D000] =	vst v63  }
0x1f: {  	_ =	swait.ge [sflag:s5], $0x1000  }
0x20: {  	s17 =	sand.u32 $0xF000, s2;
	s18 =	sand.u32 $0x380, s2;
	[sflag:s5] =	ssyncset.done $0x0  }
0x21: {  	s17 =	sor.u32 s18, s17;
	[sflag:s5] =	ssyncadd.s32 $0xFFFFF000  }
0x22: {  	[tilespmem:s17+$0xDC70] =	vst v3  }
0x23: {  	[tilespmem:s17+$0xD000] =	vst v3  }
0x24: {  	[tilespmem:s17+$0xD010] =	vst v3  }
0x25: {  	[tilespmem:s17+$0xD020] =	vst v3  }
0x26: {  	[tilespmem:s17+$0xD030] =	vst v3  }
0x27: {  	[tilespmem:s17+$0xD040] =	vst v3  }
0x28: {  	[tilespmem:s17+$0xD050] =	vst v3  }
0x29: {  	[tilespmem:s17+$0xD060] =	vst v3  }
0x2a: {  	[tilespmem:s17+$0xD070] =	vst v3  }
0x2b: {  	[tilespmem:s17+$0xD400] =	vst v3  }
0x2c: {  	[tilespmem:s17+$0xD410] =	vst v3  }
0x2d: {  	[tilespmem:s17+$0xD420] =	vst v3  }
0x2e: {  	[tilespmem:s17+$0xD430] =	vst v3  }
0x2f: {  	[tilespmem:s17+$0xD440] =	vst v3  }
0x30: {  	[tilespmem:s17+$0xD450] =	vst v3  }
0x31: {  	[tilespmem:s17+$0xD460] =	vst v3  }
0x32: {  	[tilespmem:s17+$0xD470] =	vst v3  }
0x33: {  	[tilespmem:s17+$0xD800] =	vst v3  }
0x34: {  	[tilespmem:s17+$0xD810] =	vst v3  }
0x35: {  	[tilespmem:s17+$0xD820] =	vst v3  }
0x36: {  	[tilespmem:s17+$0xD830] =	vst v3  }
0x37: {  	[tilespmem:s17+$0xD840] =	vst v3  }
0x38: {  	[tilespmem:s17+$0xD850] =	vst v3  }
0x39: {  	[tilespmem:s17+$0xD860] =	vst v3  }
0x3a: {  	[tilespmem:s17+$0xD870] =	vst v3  }
0x3b: {  	[tilespmem:s17+$0xDC00] =	vst v3  }
0x3c: {  	[tilespmem:s17+$0xDC10] =	vst v3  }
0x3d: {  	[tilespmem:s17+$0xDC20] =	vst v3  }
0x3e: {  	[tilespmem:s17+$0xDC30] =	vst v3  }
0x3f: {  	s19 =	simm.s32 $0x200;
	s18 =	simm.s32 $0x80;
	[tilespmem:s17+$0xDC40] =	vst v3  }
0x40: {  	s20 =	sand.u32 $0xF000, s19;
	s19 =	simm.s32 $0x400;
	s21 =	sand.u32 $0x380, s18;
	[tilespmem:s17+$0xDC50] =	vst v3  }
.LBB2_2:
0x41: {  	p0 =	sne.s32 s19, $0xFE00;
	[tilespmem:s17+$0xDC60] =	vst v3;
	s17 =	sor.u32 s21, s20  }
0x42: {  	[tilespmem:s17+$0xDC70] =	vst v3  }
0x43: {  	[tilespmem:s17+$0xD000] =	vst v3  }
0x44: {  	[tilespmem:s17+$0xD010] =	vst v3  }
0x45: {  	[tilespmem:s17+$0xD020] =	vst v3  }
0x46: {  	[tilespmem:s17+$0xD030] =	vst v3  }
0x47: {  	[tilespmem:s17+$0xD040] =	vst v3  }
0x48: {  	[tilespmem:s17+$0xD050] =	vst v3  }
0x49: {  	[tilespmem:s17+$0xD060] =	vst v3  }
0x4a: {  	[tilespmem:s17+$0xD070] =	vst v3  }
0x4b: {  	[tilespmem:s17+$0xD400] =	vst v3  }
0x4c: {  	[tilespmem:s17+$0xD410] =	vst v3  }
0x4d: {  	[tilespmem:s17+$0xD420] =	vst v3  }
0x4e: {  	[tilespmem:s17+$0xD430] =	vst v3  }
0x4f: {  	[tilespmem:s17+$0xD440] =	vst v3  }
0x50: {  	[tilespmem:s17+$0xD450] =	vst v3  }
0x51: {  	[tilespmem:s17+$0xD460] =	vst v3  }
0x52: {  	[tilespmem:s17+$0xD470] =	vst v3  }
0x53: {  	[tilespmem:s17+$0xD800] =	vst v3  }
0x54: {  	[tilespmem:s17+$0xD810] =	vst v3  }
0x55: {  	[tilespmem:s17+$0xD820] =	vst v3  }
0x56: {  	[tilespmem:s17+$0xD830] =	vst v3  }
0x57: {  	[tilespmem:s17+$0xD840] =	vst v3  }
0x58: {  	[tilespmem:s17+$0xD850] =	vst v3  }
0x59: {  	[tilespmem:s17+$0xD860] =	vst v3  }
0x5a: {  	[tilespmem:s17+$0xD870] =	vst v3  }
0x5b: {  	[tilespmem:s17+$0xDC00] =	vst v3  }
.Ltmp0:
0x5c: {  	[tilespmem:s17+$0xDC10] =	vst v3;
	(pc) =	sbr.rel @p0 .LBB2_2-.Ltmp0, $4  }
0x5d: {  	[tilespmem:s17+$0xDC20] =	vst v3  }
0x5e: {  	[tilespmem:s17+$0xDC30] =	vst v3  }
0x5f: {  	s18 =	sadd.s32 $0x80, s18;
	[tilespmem:s17+$0xDC40] =	vst v3  }
0x60: {  	s20 =	sand.u32 $0xF000, s19;
	s19 =	sadd.s32 $0x200, s19;
	s21 =	sand.u32 $0x380, s18;
	[tilespmem:s17+$0xDC50] =	vst v3  }
0x61: {  	s18 =	sor.u32 s21, s20;
	[tilespmem:s17+$0xDC60] =	vst v3  }
0x62: {  	[tilespmem:s18+$0xDC70] =	vst v3  }
0x63: {  	[tilespmem:s18+$0xD000] =	vst v3  }
0x64: {  	[tilespmem:s18+$0xD010] =	vst v3  }
0x65: {  	[tilespmem:s18+$0xD020] =	vst v3  }
0x66: {  	[tilespmem:s18+$0xD030] =	vst v3  }
0x67: {  	[tilespmem:s18+$0xD040] =	vst v3  }
0x68: {  	[tilespmem:s18+$0xD050] =	vst v3  }
0x69: {  	[tilespmem:s18+$0xD060] =	vst v3  }
0x6a: {  	[tilespmem:s18+$0xD070] =	vst v3  }
0x6b: {  	[tilespmem:s18+$0xD400] =	vst v3  }
0x6c: {  	[tilespmem:s18+$0xD410] =	vst v3  }
0x6d: {  	[tilespmem:s18+$0xD420] =	vst v3  }
0x6e: {  	[tilespmem:s18+$0xD430] =	vst v3  }
0x6f: {  	[tilespmem:s18+$0xD440] =	vst v3  }
0x70: {  	[tilespmem:s18+$0xD450] =	vst v3  }
0x71: {  	[tilespmem:s18+$0xD460] =	vst v3  }
0x72: {  	[tilespmem:s18+$0xD470] =	vst v3  }
0x73: {  	[tilespmem:s18+$0xD800] =	vst v3  }
0x74: {  	[tilespmem:s18+$0xD810] =	vst v3  }
0x75: {  	[tilespmem:s18+$0xD820] =	vst v3  }
0x76: {  	[tilespmem:s18+$0xD830] =	vst v3  }
0x77: {  	[tilespmem:s18+$0xD840] =	vst v3  }
0x78: {  	[tilespmem:s18+$0xD850] =	vst v3  }
0x79: {  	[tilespmem:s18+$0xD860] =	vst v3  }
0x7a: {  	[tilespmem:s18+$0xD870] =	vst v3  }
0x7b: {  	[tilespmem:s18+$0xDC00] =	vst v3  }
0x7c: {  	[tilespmem:s18+$0xDC10] =	vst v3  }
0x7d: {  	[tilespmem:s18+$0xDC20] =	vst v3  }
0x7e: {  	[tilespmem:s18+$0xDC30] =	vst v3  }
0x7f: {  	[tilespmem:s18+$0xDC40] =	vst v3  }
0x80: {  	[tilespmem:s18+$0xDC50] =	vst v3  }
0x81: {  	s17 =	simm.s32 $0x0;
	[tilespmem:s18+$0xDC60] =	vst v3;
	s18 =	simm.s32 $0x0  }
.LBB2_4:
0x82: {  	s19 =	sshra.s32 s18, $0x2  }
0x83: {  	v5 =	vld [tilespmem:s19+$0x4000];
	_ =	sdelay $0x2  }
0x84: {  	v6 =	vld [tilespmem:s19+$0x0];
	_ =	sdelay $0x1  }
0x85: {  	v5 =	vsub.s32 v5, v2  }
0x86: {  	vm0 =	vlt.u32 v5, $0x80  }
0x87: {  	v5 =	vnsel vm0, $0x0, v5  }
0x88: {  	v8 =	vshll.u32 v6, $0x3;
	v7 =	vshll.u32 v5, $0x9  }
0x89: {  	v8 =	vand.u32 $0xFFFFFC00, v8;
	v5 =	vshll.u32 v5, $0x7;
	v7 =	vand.u32 $0xFFFFF000, v7  }
0x8a: {  	v5 =	vand.u32 $0x380, v5;
	v7 =	vadd.s32 v8, v7  }
0x8b: {  	v6 =	vand.u32 $0x7F, v6;
	v5 =	vor.u32 v5, v7  }
0x8c: {  	v7 =	vld [tilespmem:s19+$0x8000];
	v5 =	vor.u32 v6, v5;
	_ =	sdelay $0x4  }
0x8d: {  	[tilespmem:v5+s15+$0x0] =	vst.idx.add.f32.msk vm0, v7  }
0x8e: {  	v5 =	vld [tilespmem:s19+$0x4010];
	_ =	sdelay $0x2  }
0x8f: {  	v6 =	vld [tilespmem:s19+$0x10];
	_ =	sdelay $0x1  }
0x90: {  	v5 =	vsub.s32 v5, v2  }
0x91: {  	vm13 =	vlt.u32 v5, $0x80  }
0x92: {  	v5 =	vnsel vm13, $0x0, v5  }
0x93: {  	v61 =	vshll.u32 v6, $0x3;
	v7 =	vshll.u32 v5, $0x9  }
0x94: {  	v8 =	vand.u32 $0xFFFFFC00, v61;
	v5 =	vshll.u32 v5, $0x7;
	v7 =	vand.u32 $0xFFFFF000, v7  }
0x95: {  	v5 =	vand.u32 $0x380, v5;
	v7 =	vadd.s32 v8, v7  }
0x96: {  	v6 =	vand.u32 $0x7F, v6;
	v5 =	vor.u32 v5, v7  }
0x97: {  	v7 =	vld [tilespmem:s19+$0x8010];
	v5 =	vor.u32 v6, v5;
	_ =	sdelay $0x4  }
0x98: {  	[tilespmem:v5+s15+$0x0] =	vst.idx.add.f32.msk vm13, v7  }
0x99: {  	v5 =	vld [tilespmem:s19+$0x4020];
	_ =	sdelay $0x2  }
0x9a: {  	v6 =	vld [tilespmem:s19+$0x20];
	_ =	sdelay $0x1  }
0x9b: {  	v5 =	vsub.s32 v5, v2  }
0x9c: {  	vm14 =	vlt.u32 v5, $0x80  }
0x9d: {  	v5 =	vnsel vm14, $0x0, v5  }
0x9e: {  	v62 =	vshll.u32 v6, $0x3;
	v7 =	vshll.u32 v5, $0x9  }
0x9f: {  	v8 =	vand.u32 $0xFFFFFC00, v62;
	v5 =	vshll.u32 v5, $0x7;
	v7 =	vand.u32 $0xFFFFF000, v7  }
0xa0: {  	v5 =	vand.u32 $0x380, v5;
	v7 =	vadd.s32 v8, v7  }
0xa1: {  	v6 =	vand.u32 $0x7F, v6;
	v5 =	vor.u32 v5, v7  }
0xa2: {  	v7 =	vld [tilespmem:s19+$0x8020];
	v5 =	vor.u32 v6, v5;
	_ =	sdelay $0x4  }
0xa3: {  	[tilespmem:v5+s15+$0x0] =	vst.idx.add.f32.msk vm14, v7  }
0xa4: {  	v5 =	vld [tilespmem:s19+$0x4030];
	_ =	sdelay $0x2  }
0xa5: {  	v6 =	vld [tilespmem:s19+$0x30];
	_ =	sdelay $0x1  }
0xa6: {  	v5 =	vsub.s32 v5, v2  }
0xa7: {  	vm15 =	vlt.u32 v5, $0x80  }
0xa8: {  	v5 =	vnsel vm15, $0x0, v5  }
0xa9: {  	v63 =	vshll.u32 v6, $0x3;
	v7 =	vshll.u32 v5, $0x9  }
0xaa: {  	v8 =	vand.u32 $0xFFFFFC00, v63;
	v5 =	vshll.u32 v5, $0x7;
	v7 =	vand.u32 $0xFFFFF000, v7  }
0xab: {  	v5 =	vand.u32 $0x380, v5;
	v7 =	vadd.s32 v8, v7  }
0xac: {  	v6 =	vand.u32 $0x7F, v6;
	v5 =	vor.u32 v5, v7  }
0xad: {  	p0 =	sne.s32 s18, $0xFF00;
	v7 =	vld [tilespmem:s19+$0x8030];
	v5 =	vor.u32 v6, v5  }
.Ltmp1:
0xae: {  	_ = 	snop;
	(pc) =	sbr.rel @p0 .LBB2_4-.Ltmp1, $2  }
0xaf: {  	_ =	sdelay $0x2  }
0xb0: {  	s18 =	sadd.s32 $0x100, s18;
	[tilespmem:v5+s15+$0x0] =	vst.idx.add.f32.msk vm15, v7  }
0xb1: {  	p1 =	por $0x1, $0x1  }
.Ltmp2:
0xb2: {  	_ = 	snop;
	(pc) =	sbr.rel @!p1 .LBB2_6-.Ltmp2, $2  }
0xb3: {  	_ =	sdelay $0x2  }
0xb4: {  	v5 =	vor.u32 s17, v0;
	s17 =	simm.s32 $0x10;
	p0 =	por $0x0, $0x0  }
0xb5: {  	v6 =	vor.u32 v2, v5  }
0xb6: {  	v7 =	vshll.u32 v5, $0x9;
	p1 =	por $0x1, $0x1;
	v6 =	vshll.u32 v6, $0x3  }
.Ltmp3:
0xb7: {  	v8 =	vand.u32 $0xF000, v7;
	v7 =	vadd.s32 v1, v6;
	(pc) =	sbr.rel @!p1 .LBB2_9-.Ltmp3, $3  }
0xb8: {  	_ =	sdelay $0x1  }
0xb9: {  	v9 =	vand.u32 $0x7FFFFC00, v6  }
0xba: {  	p0 =	por $0x1, $0x1;
	v6 =	vor.u32 s17, v0;
	s17 =	simm.s32 $0x20;
	v8 =	vadd.s32 v8, v9  }
.LBB2_8:
0xbb: {  	p1 =	sne.s32 s17, $0x70;
	v9 =	vor.u32 v2, v6;
	v10 =	vld.idx.msk [tilespmem:v7+s14+$0x0], $0xffff;
	v7 =	vadd.s32 v8, v5;
	v5 =	vmov v6  }
0xbc: {  	v6 =	vshll.u32 v9, $0x3;
	v9 =	vadd.s32 v4, v7  }
.Ltmp4:
0xbd: {  	v7 =	vadd.s32 v1, v6;
	(pc) =	sbr.rel @p1 .LBB2_8-.Ltmp4, $4  }
0xbe: {  	_ = 	snop  }
0xbf: {  	v8 =	vshll.u32 v5, $0x9  }
0xc0: {  	v8 =	vand.u32 $0xF000, v8;
	v11 =	vand.u32 $0x7FFFFC00, v6  }
0xc1: {  	v6 =	vor.u32 s17, v0;
	s17 =	sadd.s32 $0x10, s17;
	v8 =	vadd.s32 v8, v11;
	[tilespmem:v9+s15+$0x0] =	vst.idx.add.f32.msk $0xffff, v10  }
.LBB2_9:
0xc2: {  	_ =	sdelay $0x2  }
0xc3: {  	v9 =	vor.u32 v2, v6;
	v5 =	vadd.s32 @p0 v8, v5  }
0xc4: {  	v7 =	vld.idx.msk @p0 [tilespmem:v7+s14+$0x0], $0xffff;
	v63 =	vshll.u32 v9, $0x3;
	v5 =	vadd.s32 @p0 v4, v5  }
0xc5: {  	v9 =	vadd.s32 v1, v63  }
0xc6: {  	v10 =	vshll.u32 v6, $0x9  }
0xc7: {  	v10 =	vand.u32 $0xF000, v10;
	v8 =	vand.u32 $0x7FFFFC00, v63  }
0xc8: {  	v8 =	vadd.s32 v10, v8  }
0xc9: {  	[tilespmem:v5+s15+$0x0] =	vst.idx.add.f32.msk @p0 $0xffff, v7;
	v5 =	vadd.s32 v8, v6  }
0xca: {  	v6 =	vld.idx.msk [tilespmem:v9+s14+$0x0], $0xffff;
	v5 =	vadd.s32 v4, v5;
	_ =	sdelay $0x3  }
0xcb: {  	s16 =	sadd.s32 $0x1, s16  }
0xcc: {  	p0 =	sne.s32 s16, s9;
	[tilespmem:v5+s15+$0x0] =	vst.idx.add.f32.msk $0xffff, v6  }
0xcd: {  	[hbm4b:s8+s2] =	stream.linear.scatter [tilespmem:s15], [sflag:$0x1], $0x10000, $0x38;
	[tilespmem:$0x1D000] =	vst v63  }
.Ltmp5:
0xce: {  	_ = 	snop;
	(pc) =	sbr.rel @p0 .LBB2_1-.Ltmp5, $4  }
.Ltmp6:
0xcf: {  	_ = 	snop;
	(pc) =	sbr.rel @!p0 .LBB2_10-.Ltmp6, $4  }
0xd0: {  	_ =	swait.ge [sflag:s5], $0x10000  }
0xd1: {  	[sflag:s5] =	ssyncset.done $0x0  }
0xd2: {  	[sflag:s5] =	ssyncadd.s32 $0xFFFF0000  }
0xd3: {  	_ = 	snop  }
.LBB2_6:
.Ltmp7:
0xd4: {  	(pc) =	sbr.rel .LBB2_9-.Ltmp7, $2  }
0xd5: {  	_ =	sdelay $0x2  }
0xd6: {  	v6 =	vmov v5  }
.LBB2_10:
0xd7: {  	_ =	sfence.sel $0x180000  }
0xd8: {  	[bflag:$0x0] =	sbarrier.arrive $0xFFFF  }
0xd9: {  	p0 =	sne.s32 s0, $0x0;
	_ =	strace $0x90000047  }
0xda: {  	s0 =	sadd.s32 @!p0 $0x100000, s1;
	[bflag:$0x2] =	sbarrier.arrive $0xFFFF  }
0xdb: {  	[sflag:s0] =	ssyncadd.tile.s32 @!p0 $0x1;
	_ =	shalt  }
.Lfunc_end2:
_tile_overlayer_lowered:
.L_overlay_start_2:
0xdc: {  	(tag) =	ssettag $0x2  }
0xdd: {  	s0 =	rddreg [dreg:$0x0];
	s2 =	stileid.u32  }
0xde: {  	s1 =	rddreg [dreg:$0x1];
	p0 =	sne.s32 s2, $0x0  }
0xdf: {  	s3 =	rddreg [dreg:$0x2];
	[bflag:$0x3] =	sbarrier.arrive $0xFFFF;
	s2 =	simm.s32 @!p0 $0x1C01  }
0xe0: {  	[timem:s3], [sflag:s2] =	dma.local @!p0 [hbm:s0], s1  }
0xe1: {  	s0 =	simm.s32 @!p0 $0x1  }
0xe2: {  	_ =	swait.ge @!p0 [sflag:s0], s1  }
0xe3: {  	s1 =	ssub.s32 @!p0 $0x0, s1;
	[sflag:s0] =	ssyncset.done @!p0 $0x0  }
0xe4: {  	[sflag:s0] =	ssyncadd.s32 @!p0 s1  }
0xe5: {  	[bflag:$0x3] =	sbarrier.arrive $0xFFFF  }
0xe6: {  	_ =	shalt  }

// kernel: kernel.14.cloned.1.call-start
scs
__scs_entry_jumppad:
0x0: {  	(pc) =	sbr.rel $0x88, $3  }
0x1: {  	(tag) =	ssettag $0x0;
	lr =	simm.s32 $0x1  }
0x2: {  	[smem:$0x3F8F] =	sst lr;
	_ =	strace $0xD0000000  }
0x3: {  	_ = 	snop  }
0x4: {  	_ = 	snop  }
0x5: {  	_ = 	snop  }
0x6: {  	_ = 	snop  }
0x7: {  	_ = 	snop  }
__scs_overlays_trampoline_lowered:
0x8: {  	[smem:$0x3F9E] =	sst s0  }
0x9: {  	[smem:$0x3F9F] =	sst s1  }
0xa: {  	[smem:$0x3FA0] =	sst s2  }
0xb: {  	[smem:$0x3FA1] =	sst s3  }
0xc: {  	[smem:$0x3FA2] =	sst s4  }
0xd: {  	[smem:$0x3FA3] =	sst s5  }
0xe: {  	[smem:$0x3FA4] =	sst s6  }
0xf: {  	[smem:$0x3FA5] =	sst s7  }
0x10: {  	[smem:$0x3FA6] =	sst s8  }
0x11: {  	[smem:$0x3FA7] =	sst s9;
	s0 =	simm.s32 @!p0 $0x0  }
0x12: {  	s1 =	sld [smem:$0x3F8D];
	s0 =	simm.s32 @p0 $0x1  }
0x13: {  	[smem:$0x3FA8] =	sst s0;
	s0 =	simm.s32 @!p1 $0x0  }
0x14: {  	s2 =	sld [smem:$0x3F8C];
	s0 =	simm.s32 @p1 $0x1  }
0x15: {  	[smem:$0x3FA9] =	sst s0;
	s0 =	simm.s32 @!p2 $0x0  }
0x16: {  	s3 =	sld [smem:$0x3FDB];
	s0 =	simm.s32 @p2 $0x1  }
0x17: {  	s4 =	simm.s32 $0x1BF5;
	[smem:$0x3FAB] =	sst s0  }
0x18: {  	s0 =	sld [smem:$0x3F8E];
	_ =	swait.ge [sflag:s4], $0x0  }
0x19: {  	s7 =	sld [smem:$0x3F8F]  }
0x1a: {  	s8 =	sadd.s32 $0xFFFFE003, lr  }
0x1b: {  	s9 =	sadd.s32 $0xFFFFFEF7, lr;
	s5 =	simm.s32 $0xFFFFFFFF;
	p2 =	slt.u32 s8, $0xFFFFF086  }
0x1c: {  	p1 =	slt.u32 s9, $0xF7A;
	s5 =	simm.s32 @!p2 $0x0  }
0x1d: {  	s5 =	simm.s32 @p1 $0x1;
	p0 =	seq.s32 s7, s2  }
0x1e: {  	s7 =	smul.u32 @!p0 $0xF7A, s2;
	p2 =	seq.s32 @!p0 s5, $0x0  }
0x1f: {  	s9 =	smul.u32 $0xF7A, s1;
	s8 =	simm.s32 @!p0 $0x1BF5;
	p2 =	por !p2, p0  }
0x20: {  	[sflag:s8] =	ssyncset.s32 @!p0 $0xFFFFF086;
	s6 =	sadd.s32 @!p0 s3, s7;
	s7 =	simm.s32 @!p0 $0x108  }
0x21: {  	s3 =	sadd.s32 s3, s9;
	s6 =	sadd.s32 @!p0 $0x88, s6;
	s7 =	simm.s32 @p2 $0x1082  }
0x22: {  	[simem:s7], [sflag:s8] =	dma.local @!p0 [hbm:s6], $0xF7A  }
0x23: {  	s9 =	sor.u32 $0xD0000000, s2;
	s6 =	simm.s32 $0x108;
	_ =	swait.ge @!p0 [sflag:s8], $0x0  }
0x24: {  	s3 =	sadd.s32 $0x88, s3;
	s6 =	simm.s32 @!p1 $0x1082;
	[sflag:s4] =	ssyncset.s32 $0xFFFFF086  }
0x25: {  	[simem:s6], [sflag:s4] =	dma.local [hbm:s3], $0xF7A  }
0x26: {  	[smem:$0x3F8F] =	sst s1;
	(tag) =	ssettag s2;
	_ =	strace s9  }
0x27: {  	s1 =	sld [smem:$0x3F9F]  }
0x28: {  	s2 =	sld [smem:$0x3FA0]  }
0x29: {  	s4 =	sld [smem:$0x3FA2]  }
0x2a: {  	p0 =	seq.s32 s5, $0x0;
	s5 =	sld [smem:$0x3FA3]  }
0x2b: {  	s6 =	sld [smem:$0x3FA4]  }
0x2c: {  	s7 =	sld [smem:$0x3FA5]  }
0x2d: {  	s3 =	simm.s32 $0x108;
	s8 =	sld [smem:$0x3FA6]  }
0x2e: {  	s3 =	simm.s32 @!p0 $0x1082;
	s9 =	sld [smem:$0x3FA7]  }
0x2f: {  	lr =	sadd.s32 s0, s3;
	s0 =	sld [smem:$0x3F9E]  }
0x30: {  	s3 =	sld [smem:$0x3FA1]  }
0x31: {  	[smem:$0x3FAA] =	sst s10  }
0x32: {  	s10 =	sld [smem:$0x3FA8];
	_ =	sdelay $0x3  }
0x33: {  	p0 =	seq.s32 s10, $0x1;
	s10 =	sld [smem:$0x3FAA];
	_ =	sdelay $0x3  }
0x34: {  	[smem:$0x3FAA] =	sst s10  }
0x35: {  	s10 =	sld [smem:$0x3FA9];
	_ =	sdelay $0x3  }
0x36: {  	p1 =	seq.s32 s10, $0x1;
	s10 =	sld [smem:$0x3FAA];
	_ =	sdelay $0x3  }
0x37: {  	[smem:$0x3FAA] =	sst s10  }
0x38: {  	s10 =	sld [smem:$0x3FAB]  }
0x39: {  	_ = 	snop;
	(pc) =	sbr.ind lr, $3  }
0x3a: {  	_ = 	snop  }
0x3b: {  	_ = 	snop  }
0x3c: {  	p2 =	seq.s32 s10, $0x1;
	s10 =	sld [smem:$0x3FAA]  }
0x3d: {  	_ =	shalt  }
0x3e: {  	_ =	shalt  }
0x3f: {  	_ =	shalt  }
0x40: {  	_ =	shalt  }
0x41: {  	_ =	shalt  }
0x42: {  	_ =	shalt  }
0x43: {  	_ =	shalt  }
0x44: {  	_ =	shalt  }
0x45: {  	_ =	shalt  }
0x46: {  	_ =	shalt  }
0x47: {  	_ =	shalt  }
0x48: {  	_ =	shalt  }
0x49: {  	_ =	shalt  }
0x4a: {  	_ =	shalt  }
0x4b: {  	_ =	shalt  }
0x4c: {  	_ =	shalt  }
0x4d: {  	_ =	shalt  }
0x4e: {  	_ =	shalt  }
0x4f: {  	_ =	shalt  }
0x50: {  	_ =	shalt  }
0x51: {  	_ =	shalt  }
0x52: {  	_ =	shalt  }
0x53: {  	_ =	shalt  }
0x54: {  	_ =	shalt  }
0x55: {  	_ =	shalt  }
0x56: {  	_ =	shalt  }
0x57: {  	_ =	shalt  }
0x58: {  	_ =	shalt  }
0x59: {  	_ =	shalt  }
0x5a: {  	_ =	shalt  }
0x5b: {  	_ =	shalt  }
0x5c: {  	_ =	shalt  }
0x5d: {  	_ =	shalt  }
0x5e: {  	_ =	shalt  }
0x5f: {  	_ =	shalt  }
0x60: {  	_ =	shalt  }
0x61: {  	_ =	shalt  }
0x62: {  	_ =	shalt  }
0x63: {  	_ =	shalt  }
0x64: {  	_ =	shalt  }
0x65: {  	_ =	shalt  }
0x66: {  	_ =	shalt  }
0x67: {  	_ =	shalt  }
0x68: {  	_ =	shalt  }
0x69: {  	_ =	shalt  }
0x6a: {  	_ =	shalt  }
0x6b: {  	_ =	shalt  }
0x6c: {  	_ =	shalt  }
0x6d: {  	_ =	shalt  }
0x6e: {  	_ =	shalt  }
0x6f: {  	_ =	shalt  }
0x70: {  	_ =	shalt  }
0x71: {  	_ =	shalt  }
0x72: {  	_ =	shalt  }
0x73: {  	_ =	shalt  }
0x74: {  	_ =	shalt  }
0x75: {  	_ =	shalt  }
0x76: {  	_ =	shalt  }
0x77: {  	_ =	shalt  }
0x78: {  	_ =	shalt  }
0x79: {  	_ =	shalt  }
0x7a: {  	_ =	shalt  }
0x7b: {  	_ =	shalt  }
0x7c: {  	_ =	shalt  }
0x7d: {  	_ =	shalt  }
0x7e: {  	_ =	shalt  }
0x7f: {  	_ =	shalt  }
0x80: {  	_ =	shalt  }
0x81: {  	_ =	shalt  }
0x82: {  	_ =	shalt  }
0x83: {  	_ =	shalt  }
0x84: {  	_ =	shalt  }
0x85: {  	_ =	shalt  }
0x86: {  	_ =	shalt  }
0x87: {  	_ =	shalt  }
.Lfunc_end0:
.L_simem_size_0:
called_computation.1_lowered:
.L_overlay_start_0:
0x88: {  	s2 =	sld [smem:$0x3FD9]  }
0x89: {  	s3 =	sld [smem:$0x3FFE];
	_ =	sdelay $0x1  }
0x8a: {  	s1 =	srdreg.scid  }
0x8b: {  	s0 =	sand.u32 $0x1, s1  }
0x8c: {  	s16 =	sshll.u32 s0, $0xA;
	s2 =	sadd.s32 s3, s2  }
0x8d: {  	s2 =	sadd.s32 s2, s16  }
0x8e: {  	[smem:$0x3FB6] =	sst s2  }
0x8f: {  	_ = 	snop  }
0x90: {  	(tm) =	ssettm $0x1  }
0x91: {  	s17 =	sld [smem:$0x3FFB];
	_ =	sdelay $0x3  }
0x92: {  	_ =	strace s17  }
0x93: {  	s2 =	sld [smem:$0x3FFC];
	_ =	sdelay $0x3  }
0x94: {  	_ =	strace s2  }
0x95: {  	s2 =	sld [smem:$0x3FFD];
	_ =	sdelay $0x3  }
0x96: {  	_ =	strace s2  }
0x97: {  	_ =	strace $0x8FFFFFFF  }
0x98: {  	s18 =	sld [smem:$0x3FDB];
	_ =	sdelay $0x1  }
0x99: {  	s19 =	simm.s32 $_scs_section_size  }
0x9a: {  	s4 =	simm.s32 $_size__tile_overlayer_lowered;
	s5 =	simm.s32 $_tile_overlayer_lowered  }
0x9b: {  	s22 =	simm.s32 $0x1BFF;
	s21 =	sshll.u32 s5, $0x1;
	s2 =	sadd.s32 s19, s18  }
0x9c: {  	s6 =	simm.s32 $0x0;
	s20 =	sshll.u32 s4, $0x1;
	s4 =	sadd.s32 s21, s2  }
0x9d: {  	[timem:s6], [sflag:s22] =	dma.local [hbm:s4], s20  }
0x9e: {  	_ =	swait.ge [sflag:s22], s20  }
0x9f: {  	s3 =	ssub.s32 $0x0, s20;
	[sflag:s22] =	ssyncset.done $0x0  }
0xa0: {  	[sflag:s22] =	ssyncadd.s32 s3;
	_ =	sdelay $0x1  }
0xa1: {  	s23 =	simm.s32 $0x1B8B  }
0xa2: {  	_ =	swait.ge [sflag:s23], $0x1  }
0xa3: {  	[sflag:s23] =	ssyncset.done $0x0  }
0xa4: {  	s25 =	simm.s32 $0x1B8E;
	s24 =	sld [smem:$0x3FFE];
	[sflag:s23] =	ssyncadd.s32 $0xFFFFFFFF  }
0xa5: {  	s26 =	simm.s32 $execute0_lowered;
	[smem:$0x3FD2] =	sst s25  }
0xa6: {  	s4 =	sshll.u32 s26, $0x1;
	_ =	strace $0x80000049;
	[dreg:$0x1] =	wrdreg $0xFFFFFFFF  }
0xa7: {  	s28 =	simm.s32 $_size_execute0_lowered;
	s2 =	sadd.s32 s2, s4;
	[dreg:$0x0] =	wrdreg $0x0  }
0xa8: {  	s4 =	sshll.u32 s28, $0x1;
	[dreg:$0x2] =	wrdreg s2  }
0xa9: {  	[dreg:$0x3] =	wrdreg s4  }
0xaa: {  	[dreg:$0x4] =	wrdreg $0xC0  }
0xab: {  	_ =	task [dreg:s6], $0x5FFFF  }
0xac: {  	[dreg:$0x1] =	wrdreg $0xFFFFFFFF  }
0xad: {  	[dreg:$0x0] =	wrdreg $0x60  }
0xae: {  	[dreg:$0x2] =	wrdreg s24  }
0xaf: {  	[dreg:$0x3] =	wrdreg $0x9  }
0xb0: {  	_ =	task.clear_ibuf [dreg:s6], $0x4FFFF;
	_ =	strace $0x90000049  }
0xb1: {  	s29 =	simm.s32 $0x9;
	_ =	strace $0x8000004B  }
0xb2: {  	_ =	swait.ge [sflag:s29], $0x1  }
0xb3: {  	[sflag:s29] =	ssyncadd.s32 $0xFFFFFFFF  }
0xb4: {  	_ =	strace $0x9000004B  }
0xb5: {  	_ =	sfence  }
0xb6: {  	s30 =	sld [smem:$0x0];
	_ =	sdelay $0x2  }
0xb7: {  	s31 =	sshll.u32 s1, $0xD;
	s1 =	sshrl.u32 s1, $0x2  }
0xb8: {  	s3 =	sand.u32 $0x4000, s31;
	s1 =	sadd.s32 s1, s30  }
0xb9: {  	s0 =	sor.u32 s3, s0;
	s1 =	sshll.u32 s1, $0x11  }
0xba: {  	s0 =	sor.u32 s1, s0  }
0xbb: {  	s0 =	sadd.s32 $0x8F2B, s0  }
0xbc: {  	[sflag:s0] =	ssyncadd.remote.s32 $0x1  }
0xbd: {  	_ =	sfence.sel $0xFFFF  }
0xbe: {  	[dreg:$0x0] =	wrdreg $0xFFFFFFFF;
	(pc) =	sbr.abs _section_cstart, $3  }
0xbf: {  	[dreg:$0x1] =	wrdreg $0xFFFFFFFF  }
0xc0: {  	_ =	task.clear_ibuf [dreg:s6], $0x2FFFF;
	_ =	strace $0x9FFFFFFF  }
0xc1: {  	(tm) =	ssettm $0x7FFFFFFF  }
tec
execute0_lowered:
.L_overlay_start_1:
0x0: {  	(tag) =	ssettag $0x1  }
0x1: {  	s0 =	srdreg.scid  }
0x2: {  	s7 =	rddreg [dreg:$0x0];
	s2 =	simm.s32 $0x0;
	s4 =	simm.s32 $0x1  }
0x3: {  	s13 =	simm.s32 $0x8000;
	s15 =	simm.s32 $0xD000;
	s6 =	sand.u32 $0x1, s0  }
0x4: {  	s16 =	simm.s32 $0x0;
	s0 =	stileid.u32;
	s1 =	sshll.u32 s6, $0x4  }
0x5: {  	[smem:$0x7FF] =	sst s2;
	s8 =	sand.u32 $0x3, s0;
	s3 =	sor.u32 s0, s1  }
0x6: {  	s30 =	ssub.s32 $0x2, s6;
	p1 =	sne.s32 s8, $0x0;
	p0 =	seq.s32 s3, $0x0  }
0x7: {  	s6 =	sadd.s32 $0x7E00, s7;
	s1 =	rddreg [dreg:$0x1];
	p0 =	por !p1, !p0  }
0x8: {  	_ =	strace $0x8000004A;
	s12 =	sshll.u32 s8, $0x10;
	p0 =	por !p0, !p0  }
0x9: {  	s14 =	sshll.u32 s8, $0x7;
	s3 =	sshrl.u32 s3, $0x2;
	s4 =	simm.s32 @!p0 $0x0  }
0xa: {  	s31 =	sshrl.u32 s30, $0x1;
	v2 =	vmov s14;
	s14 =	simm.s32 $0xC000;
	s11 =	ssub.s32 s3, s4  }
0xb: {  	s3 =	sadd.s32 $0x3600, s7;
	s4 =	sadd.s32 $0x2E00, s7;
	s5 =	sshll.u32 s11, $0xE  }
0xc: {  	s9 =	sshll.u32 s11, $0x7;
	s10 =	sshll.u32 s11, $0x12;
	v1 =	vmov s11;
	s11 =	simm.s32 $0x80  }
0xd: {  	s5 =	sand.u32 $0xFFFE0000, s5;
	s9 =	sand.u32 $0x380, s9;
	s10 =	sor.u32 s12, s10  }
0xe: {  	s12 =	ssub.s32 s30, s31;
	s9 =	sor.u32 s9, s5;
	s10 =	sshrl.u32 s10, $0x3  }
0xf: {  	v0 =	vlaneseq.u32;
	s5 =	simm.s32 $0x1;
	s9 =	sshrl.u32 s9, $0x3;
	s10 =	sadd.s32 s10, s7  }
0x10: {  	v4 =	vand.u32 $0x7, v0;
	s9 =	sadd.s32 s9, s7;
	s8 =	sadd.s32 $0x83E00, s10;
	s10 =	simm.s32 $0x4000  }
0x11: {  	v3 =	vimm.f32 $0.0e+00;
	v4 =	vmul.u32 $0x80, v4;
	s7 =	sadd.s32 $0x3E00, s9;
	s9 =	smax.u32 s12, $0x1;
	s12 =	simm.s32 $0x400  }
.LBB2_1:
0x12: {  	[tilespmem:s2], [sflag:$0x1] =	stream.linear.gather [hbm4b:s3+s2], $0x4000, $0x38;
	[tilespmem:$0x1D000] =	vst v63  }
0x13: {  	_ =	swait.ge [sflag:s5], $0x4000  }
0x14: {  	[sflag:s5] =	ssyncset.done $0x0  }
0x15: {  	[sflag:s5] =	ssyncadd.s32 $0xFFFFC000  }
0x16: {  	[tilespmem:s10], [sflag:$0x1] =	stream.linear.gather [hbm4b:s4+s2], $0x4000, $0x38;
	[tilespmem:$0x1D000] =	vst v63  }
0x17: {  	_ =	swait.ge [sflag:s5], $0x4000  }
0x18: {  	[sflag:s5] =	ssyncset.done $0x0  }
0x19: {  	[sflag:s5] =	ssyncadd.s32 $0xFFFFC000  }
0x1a: {  	[tilespmem:s13], [sflag:$0x1] =	stream.strided.gather [hbm4b:s7+s11], $0x4000, s12, s11, $0x38;
	[tilespmem:$0x1D000] =	vst v63  }
0x1b: {  	_ =	swait.ge [sflag:s5], $0x4000  }
0x1c: {  	[sflag:s5] =	ssyncset.done $0x0  }
0x1d: {  	[sflag:s5] =	ssyncadd.s32 $0xFFFFC000  }
0x1e: {  	[tilespmem:s14], [sflag:$0x1] =	stream.linear.gather [hbm4b:s6+s2], $0x1000, $0x38;
	[tilespmem:$0x1D000] =	vst v63  }
0x1f: {  	_ =	swait.ge [sflag:s5], $0x1000  }
0x20: {  	s17 =	sand.u32 $0xF000, s2;
	s18 =	sand.u32 $0x380, s2;
	[sflag:s5] =	ssyncset.done $0x0  }
0x21: {  	s17 =	sor.u32 s18, s17;
	[sflag:s5] =	ssyncadd.s32 $0xFFFFF000  }
0x22: {  	[tilespmem:s17+$0xDC70] =	vst v3  }
0x23: {  	[tilespmem:s17+$0xD000] =	vst v3  }
0x24: {  	[tilespmem:s17+$0xD010] =	vst v3  }
0x25: {  	[tilespmem:s17+$0xD020] =	vst v3  }
0x26: {  	[tilespmem:s17+$0xD030] =	vst v3  }
0x27: {  	[tilespmem:s17+$0xD040] =	vst v3  }
0x28: {  	[tilespmem:s17+$0xD050] =	vst v3  }
0x29: {  	[tilespmem:s17+$0xD060] =	vst v3  }
0x2a: {  	[tilespmem:s17+$0xD070] =	vst v3  }
0x2b: {  	[tilespmem:s17+$0xD400] =	vst v3  }
0x2c: {  	[tilespmem:s17+$0xD410] =	vst v3  }
0x2d: {  	[tilespmem:s17+$0xD420] =	vst v3  }
0x2e: {  	[tilespmem:s17+$0xD430] =	vst v3  }
0x2f: {  	[tilespmem:s17+$0xD440] =	vst v3  }
0x30: {  	[tilespmem:s17+$0xD450] =	vst v3  }
0x31: {  	[tilespmem:s17+$0xD460] =	vst v3  }
0x32: {  	[tilespmem:s17+$0xD470] =	vst v3  }
0x33: {  	[tilespmem:s17+$0xD800] =	vst v3  }
0x34: {  	[tilespmem:s17+$0xD810] =	vst v3  }
0x35: {  	[tilespmem:s17+$0xD820] =	vst v3  }
0x36: {  	[tilespmem:s17+$0xD830] =	vst v3  }
0x37: {  	[tilespmem:s17+$0xD840] =	vst v3  }
0x38: {  	[tilespmem:s17+$0xD850] =	vst v3  }
0x39: {  	[tilespmem:s17+$0xD860] =	vst v3  }
0x3a: {  	[tilespmem:s17+$0xD870] =	vst v3  }
0x3b: {  	[tilespmem:s17+$0xDC00] =	vst v3  }
0x3c: {  	[tilespmem:s17+$0xDC10] =	vst v3  }
0x3d: {  	[tilespmem:s17+$0xDC20] =	vst v3  }
0x3e: {  	[tilespmem:s17+$0xDC30] =	vst v3  }
0x3f: {  	s19 =	simm.s32 $0x200;
	s18 =	simm.s32 $0x80;
	[tilespmem:s17+$0xDC40] =	vst v3  }
0x40: {  	s20 =	sand.u32 $0xF000, s19;
	s19 =	simm.s32 $0x400;
	s21 =	sand.u32 $0x380, s18;
	[tilespmem:s17+$0xDC50] =	vst v3  }
.LBB2_2:
0x41: {  	p0 =	sne.s32 s19, $0xFE00;
	[tilespmem:s17+$0xDC60] =	vst v3;
	s17 =	sor.u32 s21, s20  }
0x42: {  	[tilespmem:s17+$0xDC70] =	vst v3  }
0x43: {  	[tilespmem:s17+$0xD000] =	vst v3  }
0x44: {  	[tilespmem:s17+$0xD010] =	vst v3  }
0x45: {  	[tilespmem:s17+$0xD020] =	vst v3  }
0x46: {  	[tilespmem:s17+$0xD030] =	vst v3  }
0x47: {  	[tilespmem:s17+$0xD040] =	vst v3  }
0x48: {  	[tilespmem:s17+$0xD050] =	vst v3  }
0x49: {  	[tilespmem:s17+$0xD060] =	vst v3  }
0x4a: {  	[tilespmem:s17+$0xD070] =	vst v3  }
0x4b: {  	[tilespmem:s17+$0xD400] =	vst v3  }
0x4c: {  	[tilespmem:s17+$0xD410] =	vst v3  }
0x4d: {  	[tilespmem:s17+$0xD420] =	vst v3  }
0x4e: {  	[tilespmem:s17+$0xD430] =	vst v3  }
0x4f: {  	[tilespmem:s17+$0xD440] =	vst v3  }
0x50: {  	[tilespmem:s17+$0xD450] =	vst v3  }
0x51: {  	[tilespmem:s17+$0xD460] =	vst v3  }
0x52: {  	[tilespmem:s17+$0xD470] =	vst v3  }
0x53: {  	[tilespmem:s17+$0xD800] =	vst v3  }
0x54: {  	[tilespmem:s17+$0xD810] =	vst v3  }
0x55: {  	[tilespmem:s17+$0xD820] =	vst v3  }
0x56: {  	[tilespmem:s17+$0xD830] =	vst v3  }
0x57: {  	[tilespmem:s17+$0xD840] =	vst v3  }
0x58: {  	[tilespmem:s17+$0xD850] =	vst v3  }
0x59: {  	[tilespmem:s17+$0xD860] =	vst v3  }
0x5a: {  	[tilespmem:s17+$0xD870] =	vst v3  }
0x5b: {  	[tilespmem:s17+$0xDC00] =	vst v3  }
.Ltmp0:
0x5c: {  	[tilespmem:s17+$0xDC10] =	vst v3;
	(pc) =	sbr.rel @p0 .LBB2_2-.Ltmp0, $4  }
0x5d: {  	[tilespmem:s17+$0xDC20] =	vst v3  }
0x5e: {  	[tilespmem:s17+$0xDC30] =	vst v3  }
0x5f: {  	s18 =	sadd.s32 $0x80, s18;
	[tilespmem:s17+$0xDC40] =	vst v3  }
0x60: {  	s20 =	sand.u32 $0xF000, s19;
	s19 =	sadd.s32 $0x200, s19;
	s21 =	sand.u32 $0x380, s18;
	[tilespmem:s17+$0xDC50] =	vst v3  }
0x61: {  	s18 =	sor.u32 s21, s20;
	[tilespmem:s17+$0xDC60] =	vst v3  }
0x62: {  	[tilespmem:s18+$0xDC70] =	vst v3  }
0x63: {  	[tilespmem:s18+$0xD000] =	vst v3  }
0x64: {  	[tilespmem:s18+$0xD010] =	vst v3  }
0x65: {  	[tilespmem:s18+$0xD020] =	vst v3  }
0x66: {  	[tilespmem:s18+$0xD030] =	vst v3  }
0x67: {  	[tilespmem:s18+$0xD040] =	vst v3  }
0x68: {  	[tilespmem:s18+$0xD050] =	vst v3  }
0x69: {  	[tilespmem:s18+$0xD060] =	vst v3  }
0x6a: {  	[tilespmem:s18+$0xD070] =	vst v3  }
0x6b: {  	[tilespmem:s18+$0xD400] =	vst v3  }
0x6c: {  	[tilespmem:s18+$0xD410] =	vst v3  }
0x6d: {  	[tilespmem:s18+$0xD420] =	vst v3  }
0x6e: {  	[tilespmem:s18+$0xD430] =	vst v3  }
0x6f: {  	[tilespmem:s18+$0xD440] =	vst v3  }
0x70: {  	[tilespmem:s18+$0xD450] =	vst v3  }
0x71: {  	[tilespmem:s18+$0xD460] =	vst v3  }
0x72: {  	[tilespmem:s18+$0xD470] =	vst v3  }
0x73: {  	[tilespmem:s18+$0xD800] =	vst v3  }
0x74: {  	[tilespmem:s18+$0xD810] =	vst v3  }
0x75: {  	[tilespmem:s18+$0xD820] =	vst v3  }
0x76: {  	[tilespmem:s18+$0xD830] =	vst v3  }
0x77: {  	[tilespmem:s18+$0xD840] =	vst v3  }
0x78: {  	[tilespmem:s18+$0xD850] =	vst v3  }
0x79: {  	[tilespmem:s18+$0xD860] =	vst v3  }
0x7a: {  	[tilespmem:s18+$0xD870] =	vst v3  }
0x7b: {  	[tilespmem:s18+$0xDC00] =	vst v3  }
0x7c: {  	[tilespmem:s18+$0xDC10] =	vst v3  }
0x7d: {  	[tilespmem:s18+$0xDC20] =	vst v3  }
0x7e: {  	[tilespmem:s18+$0xDC30] =	vst v3  }
0x7f: {  	[tilespmem:s18+$0xDC40] =	vst v3  }
0x80: {  	[tilespmem:s18+$0xDC50] =	vst v3  }
0x81: {  	s17 =	simm.s32 $0x0;
	[tilespmem:s18+$0xDC60] =	vst v3;
	s18 =	simm.s32 $0x0  }
.LBB2_4:
0x82: {  	s19 =	sshra.s32 s18, $0x2  }
0x83: {  	v5 =	vld [tilespmem:s19+$0x4000];
	_ =	sdelay $0x2  }
0x84: {  	v6 =	vld [tilespmem:s19+$0x0];
	_ =	sdelay $0x1  }
0x85: {  	v5 =	vsub.s32 v5, v2  }
0x86: {  	vm0 =	vlt.u32 v5, $0x80  }
0x87: {  	v5 =	vnsel vm0, $0x0, v5  }
0x88: {  	v8 =	vshll.u32 v6, $0x3;
	v7 =	vshll.u32 v5, $0x9  }
0x89: {  	v8 =	vand.u32 $0xFFFFFC00, v8;
	v5 =	vshll.u32 v5, $0x7;
	v7 =	vand.u32 $0xFFFFF000, v7  }
0x8a: {  	v5 =	vand.u32 $0x380, v5;
	v7 =	vadd.s32 v8, v7  }
0x8b: {  	v6 =	vand.u32 $0x7F, v6;
	v5 =	vor.u32 v5, v7  }
0x8c: {  	v7 =	vld [tilespmem:s19+$0x8000];
	v5 =	vor.u32 v6, v5;
	_ =	sdelay $0x4  }
0x8d: {  	[tilespmem:v5+s15+$0x0] =	vst.idx.add.f32.msk vm0, v7  }
0x8e: {  	v5 =	vld [tilespmem:s19+$0x4010];
	_ =	sdelay $0x2  }
0x8f: {  	v6 =	vld [tilespmem:s19+$0x10];
	_ =	sdelay $0x1  }
0x90: {  	v5 =	vsub.s32 v5, v2  }
0x91: {  	vm13 =	vlt.u32 v5, $0x80  }
0x92: {  	v5 =	vnsel vm13, $0x0, v5  }
0x93: {  	v61 =	vshll.u32 v6, $0x3;
	v7 =	vshll.u32 v5, $0x9  }
0x94: {  	v8 =	vand.u32 $0xFFFFFC00, v61;
	v5 =	vshll.u32 v5, $0x7;
	v7 =	vand.u32 $0xFFFFF000, v7  }
0x95: {  	v5 =	vand.u32 $0x380, v5;
	v7 =	vadd.s32 v8, v7  }
0x96: {  	v6 =	vand.u32 $0x7F, v6;
	v5 =	vor.u32 v5, v7  }
0x97: {  	v7 =	vld [tilespmem:s19+$0x8010];
	v5 =	vor.u32 v6, v5;
	_ =	sdelay $0x4  }
0x98: {  	[tilespmem:v5+s15+$0x0] =	vst.idx.add.f32.msk vm13, v7  }
0x99: {  	v5 =	vld [tilespmem:s19+$0x4020];
	_ =	sdelay $0x2  }
0x9a: {  	v6 =	vld [tilespmem:s19+$0x20];
	_ =	sdelay $0x1  }
0x9b: {  	v5 =	vsub.s32 v5, v2  }
0x9c: {  	vm14 =	vlt.u32 v5, $0x80  }
0x9d: {  	v5 =	vnsel vm14, $0x0, v5  }
0x9e: {  	v62 =	vshll.u32 v6, $0x3;
	v7 =	vshll.u32 v5, $0x9  }
0x9f: {  	v8 =	vand.u32 $0xFFFFFC00, v62;
	v5 =	vshll.u32 v5, $0x7;
	v7 =	vand.u32 $0xFFFFF000, v7  }
0xa0: {  	v5 =	vand.u32 $0x380, v5;
	v7 =	vadd.s32 v8, v7  }
0xa1: {  	v6 =	vand.u32 $0x7F, v6;
	v5 =	vor.u32 v5, v7  }
0xa2: {  	v7 =	vld [tilespmem:s19+$0x8020];
	v5 =	vor.u32 v6, v5;
	_ =	sdelay $0x4  }
0xa3: {  	[tilespmem:v5+s15+$0x0] =	vst.idx.add.f32.msk vm14, v7  }
0xa4: {  	v5 =	vld [tilespmem:s19+$0x4030];
	_ =	sdelay $0x2  }
0xa5: {  	v6 =	vld [tilespmem:s19+$0x30];
	_ =	sdelay $0x1  }
0xa6: {  	v5 =	vsub.s32 v5, v2  }
0xa7: {  	vm15 =	vlt.u32 v5, $0x80  }
0xa8: {  	v5 =	vnsel vm15, $0x0, v5  }
0xa9: {  	v63 =	vshll.u32 v6, $0x3;
	v7 =	vshll.u32 v5, $0x9  }
0xaa: {  	v8 =	vand.u32 $0xFFFFFC00, v63;
	v5 =	vshll.u32 v5, $0x7;
	v7 =	vand.u32 $0xFFFFF000, v7  }
0xab: {  	v5 =	vand.u32 $0x380, v5;
	v7 =	vadd.s32 v8, v7  }
0xac: {  	v6 =	vand.u32 $0x7F, v6;
	v5 =	vor.u32 v5, v7  }
0xad: {  	p0 =	sne.s32 s18, $0xFF00;
	v7 =	vld [tilespmem:s19+$0x8030];
	v5 =	vor.u32 v6, v5  }
.Ltmp1:
0xae: {  	_ = 	snop;
	(pc) =	sbr.rel @p0 .LBB2_4-.Ltmp1, $2  }
0xaf: {  	_ =	sdelay $0x2  }
0xb0: {  	s18 =	sadd.s32 $0x100, s18;
	[tilespmem:v5+s15+$0x0] =	vst.idx.add.f32.msk vm15, v7  }
0xb1: {  	p1 =	por $0x1, $0x1  }
.Ltmp2:
0xb2: {  	_ = 	snop;
	(pc) =	sbr.rel @!p1 .LBB2_6-.Ltmp2, $2  }
0xb3: {  	_ =	sdelay $0x2  }
0xb4: {  	v5 =	vor.u32 s17, v0;
	s17 =	simm.s32 $0x10;
	p0 =	por $0x0, $0x0  }
0xb5: {  	v6 =	vor.u32 v2, v5  }
0xb6: {  	v7 =	vshll.u32 v5, $0x9;
	p1 =	por $0x1, $0x1;
	v6 =	vshll.u32 v6, $0x3  }
.Ltmp3:
0xb7: {  	v8 =	vand.u32 $0xF000, v7;
	v7 =	vadd.s32 v1, v6;
	(pc) =	sbr.rel @!p1 .LBB2_9-.Ltmp3, $3  }
0xb8: {  	_ =	sdelay $0x1  }
0xb9: {  	v9 =	vand.u32 $0x7FFFFC00, v6  }
0xba: {  	p0 =	por $0x1, $0x1;
	v6 =	vor.u32 s17, v0;
	s17 =	simm.s32 $0x20;
	v8 =	vadd.s32 v8, v9  }
.LBB2_8:
0xbb: {  	p1 =	sne.s32 s17, $0x70;
	v9 =	vor.u32 v2, v6;
	v10 =	vld.idx.msk [tilespmem:v7+s14+$0x0], $0xffff;
	v7 =	vadd.s32 v8, v5;
	v5 =	vmov v6  }
0xbc: {  	v6 =	vshll.u32 v9, $0x3;
	v9 =	vadd.s32 v4, v7  }
.Ltmp4:
0xbd: {  	v7 =	vadd.s32 v1, v6;
	(pc) =	sbr.rel @p1 .LBB2_8-.Ltmp4, $4  }
0xbe: {  	_ = 	snop  }
0xbf: {  	v8 =	vshll.u32 v5, $0x9  }
0xc0: {  	v8 =	vand.u32 $0xF000, v8;
	v11 =	vand.u32 $0x7FFFFC00, v6  }
0xc1: {  	v6 =	vor.u32 s17, v0;
	s17 =	sadd.s32 $0x10, s17;
	v8 =	vadd.s32 v8, v11;
	[tilespmem:v9+s15+$0x0] =	vst.idx.add.f32.msk $0xffff, v10  }
.LBB2_9:
0xc2: {  	_ =	sdelay $0x2  }
0xc3: {  	v9 =	vor.u32 v2, v6;
	v5 =	vadd.s32 @p0 v8, v5  }
0xc4: {  	v7 =	vld.idx.msk @p0 [tilespmem:v7+s14+$0x0], $0xffff;
	v63 =	vshll.u32 v9, $0x3;
	v5 =	vadd.s32 @p0 v4, v5  }
0xc5: {  	v9 =	vadd.s32 v1, v63  }
0xc6: {  	v10 =	vshll.u32 v6, $0x9  }
0xc7: {  	v10 =	vand.u32 $0xF000, v10;
	v8 =	vand.u32 $0x7FFFFC00, v63  }
0xc8: {  	v8 =	vadd.s32 v10, v8  }
0xc9: {  	[tilespmem:v5+s15+$0x0] =	vst.idx.add.f32.msk @p0 $0xffff, v7;
	v5 =	vadd.s32 v8, v6  }
0xca: {  	v6 =	vld.idx.msk [tilespmem:v9+s14+$0x0], $0xffff;
	v5 =	vadd.s32 v4, v5;
	_ =	sdelay $0x3  }
0xcb: {  	s16 =	sadd.s32 $0x1, s16  }
0xcc: {  	p0 =	sne.s32 s16, s9;
	[tilespmem:v5+s15+$0x0] =	vst.idx.add.f32.msk $0xffff, v6  }
0xcd: {  	[hbm4b:s8+s2] =	stream.linear.scatter [tilespmem:s15], [sflag:$0x1], $0x10000, $0x38;
	[tilespmem:$0x1D000] =	vst v63  }
.Ltmp5:
0xce: {  	_ = 	snop;
	(pc) =	sbr.rel @p0 .LBB2_1-.Ltmp5, $4  }
.Ltmp6:
0xcf: {  	_ = 	snop;
	(pc) =	sbr.rel @!p0 .LBB2_10-.Ltmp6, $4  }
0xd0: {  	_ =	swait.ge [sflag:s5], $0x10000  }
0xd1: {  	[sflag:s5] =	ssyncset.done $0x0  }
0xd2: {  	[sflag:s5] =	ssyncadd.s32 $0xFFFF0000  }
0xd3: {  	_ = 	snop  }
.LBB2_6:
.Ltmp7:
0xd4: {  	(pc) =	sbr.rel .LBB2_9-.Ltmp7, $2  }
0xd5: {  	_ =	sdelay $0x2  }
0xd6: {  	v6 =	vmov v5  }
.LBB2_10:
0xd7: {  	_ =	sfence.sel $0x180000  }
0xd8: {  	[bflag:$0x0] =	sbarrier.arrive $0xFFFF  }
0xd9: {  	p0 =	sne.s32 s0, $0x0;
	_ =	strace $0x9000004A  }
0xda: {  	s0 =	sadd.s32 @!p0 $0x100000, s1;
	[bflag:$0x2] =	sbarrier.arrive $0xFFFF  }
0xdb: {  	[sflag:s0] =	ssyncadd.tile.s32 @!p0 $0x1;
	_ =	shalt  }
.Lfunc_end2:
_tile_overlayer_lowered:
.L_overlay_start_2:
0xdc: {  	(tag) =	ssettag $0x2  }
0xdd: {  	s0 =	rddreg [dreg:$0x0];
	s2 =	stileid.u32  }
0xde: {  	s1 =	rddreg [dreg:$0x1];
	p0 =	sne.s32 s2, $0x0  }
0xdf: {  	s3 =	rddreg [dreg:$0x2];
	[bflag:$0x3] =	sbarrier.arrive $0xFFFF;
	s2 =	simm.s32 @!p0 $0x1C01  }
0xe0: {  	[timem:s3], [sflag:s2] =	dma.local @!p0 [hbm:s0], s1  }
0xe1: {  	s0 =	simm.s32 @!p0 $0x1  }
0xe2: {  	_ =	swait.ge @!p0 [sflag:s0], s1  }
0xe3: {  	s1 =	ssub.s32 @!p0 $0x0, s1;
	[sflag:s0] =	ssyncset.done @!p0 $0x0  }
0xe4: {  	[sflag:s0] =	ssyncadd.s32 @!p0 s1  }
0xe5: {  	[bflag:$0x3] =	sbarrier.arrive $0xFFFF  }
0xe6: {  	_ =	shalt  }

</sc_bundles>
